<compile_context>
chip_gen: v7x
topology: tpu7x:2x2x1
jax: 0.10.2.dev20260603
libtpu: 0.0.44.dev20260713+nightly
codegen_flags: <defaults>
</compile_context>

<pallas_src>
import functools

import jax
import jax.numpy as jnp
from jax import lax
from jax.experimental import pallas as pl
from jax.experimental.pallas import tpu as pltpu
from jax.experimental.pallas import tpu_sc as plsc

NC = 2
NS = 16
CH = 80
RING = 3


def _sc_mesh():
    return plsc.VectorSubcoreMesh(
        core_axis_name="c", subcore_axis_name="s", num_cores=NC, num_subcores=NS
    )


def _make_deg_kernel(n, e, w=128):
    tiles = NC * NS
    ept = e // tiles
    nch = ept // CH
    rpt = (n // NS) // 8 * 8
    rem = n - rpt * NS

    @functools.partial(
        pl.kernel,
        mesh=_sc_mesh(),
        out_type=[
            jax.ShapeDtypeStruct((n, w), jnp.float32),
            jax.ShapeDtypeStruct((n, w), jnp.float32),
        ],
        scratch_types=[
            pltpu.VMEM((CH,), jnp.int32),
            pltpu.VMEM((CH,), jnp.int32),
            pltpu.VMEM((CH, w), jnp.float32),
            pltpu.VMEM_SHARED((n, w), jnp.float32),
            pltpu.SemaphoreType.DMA,
            pltpu.SemaphoreType.DMA,
            pltpu.SemaphoreType.DMA,
            pltpu.SemaphoreType.DMA,
        ],
    )
    def deg_kernel(dst_hbm, ones_hbm, zeros_hbm, out_a, out_b,
                   dstv0, dstv1, onesv, acc, si0, si1, ss0, ss1):
        dstv = [dstv0, dstv1]
        si = [si0, si1]
        ss = [ss0, ss1]
        cid = lax.axis_index("c")
        sid = lax.axis_index("s")
        wid = cid * NS + sid
        row0 = sid * rpt
        pltpu.sync_copy(zeros_hbm.at[pl.ds(0, rpt)], acc.at[pl.ds(row0, rpt)])
        if rem:
            @pl.when(sid == NS - 1)
            def _():
                pltpu.sync_copy(zeros_hbm.at[pl.ds(rpt, rem)],
                                acc.at[pl.ds(NS * rpt, rem)])
        pltpu.sync_copy(ones_hbm, onesv)
        ebase = pl.multiple_of(wid * ept, 8)
        plsc.subcore_barrier()

        def slot(i, b):
            nb = 1 - b

            @pl.when(i >= 2)
            def _():
                pltpu.make_async_copy(onesv, acc.at[dstv[b]], ss[b]).wait()

            @pl.when(i < nch)
            def _():
                off = pl.multiple_of(ebase + i * CH, 8)
                pltpu.async_copy(dst_hbm.at[pl.ds(off, CH)], dstv[b], si[b])

            @pl.when(jnp.logical_and(i >= 1, i <= nch))
            def _():
                pltpu.make_async_copy(dst_hbm.at[pl.ds(ebase, CH)], dstv[nb],
                                      si[nb]).wait()
                pltpu.async_copy(onesv, acc.at[dstv[nb]], ss[nb], add=True)

        pairs = (nch + 2) // 2

        def pair(g, c):
            slot(2 * g, 0)
            slot(2 * g + 1, 1)
            return c

        lax.fori_loop(0, pairs, pair, 0)
        for i in range(max(0, 2 * pairs - 2), nch):
            pltpu.make_async_copy(onesv, acc.at[dstv[i % 2]], ss[i % 2]).wait()
        plsc.subcore_barrier()
        out = [out_a, out_b]
        for c in range(NC):
            @pl.when(cid == c)
            def _(o=out[c]):
                pltpu.sync_copy(acc.at[pl.ds(row0, rpt)], o.at[pl.ds(row0, rpt)])
                if rem:
                    @pl.when(sid == NS - 1)
                    def _():
                        pltpu.sync_copy(acc.at[pl.ds(NS * rpt, rem)],
                                        o.at[pl.ds(NS * rpt, rem)])

    return deg_kernel


def _make_agg_kernel(n, e, d):
    tiles = NC * NS
    ept = e // tiles
    nch = ept // CH
    rpt = (n // NS) // 8 * 8
    rem = n - rpt * NS
    R = RING

    @functools.partial(
        pl.kernel,
        mesh=_sc_mesh(),
        out_type=[
            jax.ShapeDtypeStruct((n, d), jnp.float32),
            jax.ShapeDtypeStruct((n, d), jnp.float32),
        ],
        scratch_types=[pltpu.VMEM((ept,), jnp.int32)]
        + [pltpu.VMEM((CH,), jnp.int32)] * R
        + [pltpu.VMEM((CH, d), jnp.float32)] * R
        + [pltpu.VMEM_SHARED((n, d), jnp.float32)]
        + [pltpu.SemaphoreType.DMA] * (3 * R),
    )
    def agg_kernel(z_hbm, src_hbm, dst_hbm, zeros_hbm, out_a, out_b, *scr):
        srcall = scr[0]
        dstv = list(scr[1:1 + R])
        rows = list(scr[1 + R:1 + 2 * R])
        acc = scr[1 + 2 * R]
        sems = scr[2 + 2 * R:]
        sg = list(sems[0:R])
        si = list(sems[R:2 * R])
        ss = list(sems[2 * R:3 * R])
        cid = lax.axis_index("c")
        sid = lax.axis_index("s")
        wid = cid * NS + sid
        row0 = sid * rpt
        pltpu.sync_copy(zeros_hbm.at[pl.ds(0, rpt)], acc.at[pl.ds(row0, rpt)])
        if rem:
            @pl.when(sid == NS - 1)
            def _():
                pltpu.sync_copy(zeros_hbm.at[pl.ds(rpt, rem)],
                                acc.at[pl.ds(NS * rpt, rem)])
        ebase = pl.multiple_of(wid * ept, 8)
        pltpu.sync_copy(src_hbm.at[pl.ds(ebase, ept)], srcall)
        plsc.subcore_barrier()

        def gidx(i):
            return srcall.at[pl.ds(pl.multiple_of(i * CH, 8), CH)]

        D = 2

        def slot(i, b):
            nb = (b - D) % R

            @pl.when(jnp.logical_and(i >= R, i < nch + R))
            def _():
                pltpu.make_async_copy(rows[b], acc.at[dstv[b]], ss[b]).wait()

            @pl.when(i < nch)
            def _():
                pltpu.async_copy(z_hbm.at[gidx(i)], rows[b], sg[b])
                off = pl.multiple_of(ebase + i * CH, 8)
                pltpu.async_copy(dst_hbm.at[pl.ds(off, CH)], dstv[b], si[b])

            @pl.when(jnp.logical_and(i >= D, i <= nch + D - 1))
            def _():
                pltpu.make_async_copy(z_hbm.at[gidx(0)], rows[nb], sg[nb]).wait()
                pltpu.make_async_copy(dst_hbm.at[pl.ds(ebase, CH)], dstv[nb],
                                      si[nb]).wait()
                pltpu.async_copy(rows[nb], acc.at[dstv[nb]], ss[nb], add=True)

        ngrp = (nch + D + R - 1) // R
        s_last = ngrp * R - 1

        def grp(g, c):
            for b in range(R):
                slot(R * g + b, b)
            return c

        lax.fori_loop(0, ngrp, grp, 0)
        for i in range(max(0, s_last - R + 1), nch):
            pltpu.make_async_copy(rows[i % R], acc.at[dstv[i % R]],
                                  ss[i % R]).wait()
        plsc.subcore_barrier()
        out = [out_a, out_b]
        for c in range(NC):
            @pl.when(cid == c)
            def _(o=out[c]):
                pltpu.sync_copy(acc.at[pl.ds(row0, rpt)], o.at[pl.ds(row0, rpt)])
                if rem:
                    @pl.when(sid == NS - 1)
                    def _():
                        pltpu.sync_copy(acc.at[pl.ds(NS * rpt, rem)],
                                        o.at[pl.ds(NS * rpt, rem)])

    return agg_kernel


_BM = 2000


def _tc0_body(x_ref, w_ref, xw_ref):
    xw_ref[...] = jnp.dot(x_ref[...], w_ref[...],
                          preferred_element_type=jnp.float32)


def _tc0(x, w1):
    m, din = x.shape
    dh = w1.shape[1]
    grid = (m // _BM,)
    return pl.pallas_call(
        _tc0_body,
        grid=grid,
        in_specs=[
            pl.BlockSpec((_BM, din), lambda i: (i, 0)),
            pl.BlockSpec((din, dh), lambda i: (0, 0)),
        ],
        out_specs=pl.BlockSpec((_BM, dh), lambda i: (i, 0)),
        out_shape=jax.ShapeDtypeStruct((m, dh), jnp.float32),
    )(x, w1)


def _tc1_body(xw_ref, da_ref, db_ref, z_ref, dinv_ref):
    deg = da_ref[:, :1] + db_ref[:, :1] + 1.0
    dinv = lax.rsqrt(deg)
    z_ref[...] = dinv * xw_ref[...]
    dinv_ref[...] = jnp.broadcast_to(dinv, (dinv.shape[0], 16))


def _tc1(xw, deg_a, deg_b):
    m, dh = xw.shape
    grid = (m // _BM,)
    return pl.pallas_call(
        _tc1_body,
        grid=grid,
        in_specs=[
            pl.BlockSpec((_BM, dh), lambda i: (i, 0)),
            pl.BlockSpec((_BM, 128), lambda i: (i, 0)),
            pl.BlockSpec((_BM, 128), lambda i: (i, 0)),
        ],
        out_specs=[
            pl.BlockSpec((_BM, dh), lambda i: (i, 0)),
            pl.BlockSpec((_BM, 16), lambda i: (i, 0)),
        ],
        out_shape=[
            jax.ShapeDtypeStruct((m, dh), jnp.float32),
            jax.ShapeDtypeStruct((m, 16), jnp.float32),
        ],
    )(xw, deg_a, deg_b)


def _tc2_body(aa_ref, ab_ref, z1_ref, dinv_ref, w2_ref, b1_ref, z2_ref):
    dv = dinv_ref[:, :1]
    h = jnp.maximum(dv * (aa_ref[...] + ab_ref[...] + z1_ref[...]) + b1_ref[...], 0.0)
    z2_ref[...] = dv * jnp.dot(h, w2_ref[...], preferred_element_type=jnp.float32)


def _tc2(acc_a, acc_b, z1, dinv16, w2, b1_row):
    m, dh = z1.shape
    grid = (m // _BM,)
    return pl.pallas_call(
        _tc2_body,
        grid=grid,
        in_specs=[
            pl.BlockSpec((_BM, dh), lambda i: (i, 0)),
            pl.BlockSpec((_BM, dh), lambda i: (i, 0)),
            pl.BlockSpec((_BM, dh), lambda i: (i, 0)),
            pl.BlockSpec((_BM, 16), lambda i: (i, 0)),
            pl.BlockSpec((dh, dh), lambda i: (0, 0)),
            pl.BlockSpec((1, dh), lambda i: (0, 0)),
        ],
        out_specs=pl.BlockSpec((_BM, dh), lambda i: (i, 0)),
        out_shape=jax.ShapeDtypeStruct((m, dh), jnp.float32),
    )(acc_a, acc_b, z1, dinv16, w2, b1_row)


def _tc3_body(aa_ref, ab_ref, z2_ref, dinv_ref, b2_ref, wf1_ref, bf1_ref,
              wf2_ref, bf2_ref, wt0_ref, bt0_ref, wt1_ref, bt1_ref,
              y0_ref, y1_ref, fx_ref):
    dv = dinv_ref[:, :1]
    h = jnp.maximum(dv * (aa_ref[...] + ab_ref[...] + z2_ref[...]) + b2_ref[...], 0.0)
    fx = jnp.maximum(
        jnp.dot(h, wf1_ref[...], preferred_element_type=jnp.float32) + bf1_ref[...], 0.0)
    fx_ref[...] = fx
    h2 = jnp.maximum(
        jnp.dot(fx, wf2_ref[...], preferred_element_type=jnp.float32) + bf2_ref[...], 0.0)
    y0_ref[...] = jnp.dot(h2, wt0_ref[...], preferred_element_type=jnp.float32) + bt0_ref[...]
    y1_ref[...] = jnp.dot(h2, wt1_ref[...], preferred_element_type=jnp.float32) + bt1_ref[...]


def _tc3(acc_a, acc_b, z2, dinv16, b2_row, wf1, bf1_row, wf2, bf2_row,
         wt0, bt0_row, wt1, bt1_row):
    m, dh = z2.shape
    dfc = wf1.shape[1]
    c0 = wt0.shape[1]
    c1 = wt1.shape[1]
    grid = (m // _BM,)
    return pl.pallas_call(
        _tc3_body,
        grid=grid,
        in_specs=[
            pl.BlockSpec((_BM, dh), lambda i: (i, 0)),
            pl.BlockSpec((_BM, dh), lambda i: (i, 0)),
            pl.BlockSpec((_BM, dh), lambda i: (i, 0)),
            pl.BlockSpec((_BM, 16), lambda i: (i, 0)),
            pl.BlockSpec((1, dh), lambda i: (0, 0)),
            pl.BlockSpec((dh, dfc), lambda i: (0, 0)),
            pl.BlockSpec((1, dfc), lambda i: (0, 0)),
            pl.BlockSpec((dfc, dfc), lambda i: (0, 0)),
            pl.BlockSpec((1, dfc), lambda i: (0, 0)),
            pl.BlockSpec((dfc, c0), lambda i: (0, 0)),
            pl.BlockSpec((1, c0), lambda i: (0, 0)),
            pl.BlockSpec((dfc, c1), lambda i: (0, 0)),
            pl.BlockSpec((1, c1), lambda i: (0, 0)),
        ],
        out_specs=[
            pl.BlockSpec((_BM, c0), lambda i: (i, 0)),
            pl.BlockSpec((_BM, c1), lambda i: (i, 0)),
            pl.BlockSpec((_BM, dfc), lambda i: (i, 0)),
        ],
        out_shape=[
            jax.ShapeDtypeStruct((m, c0), jnp.float32),
            jax.ShapeDtypeStruct((m, c1), jnp.float32),
            jax.ShapeDtypeStruct((m, dfc), jnp.float32),
        ],
    )(acc_a, acc_b, z2, dinv16, b2_row, wf1, bf1_row, wf2, bf2_row,
      wt0, bt0_row, wt1, bt1_row)


def kernel(x, edge_index, W1, b1, W2, b2, Wf1, bf1, Wf2, bf2, Wt0, bt0, Wt1, bt1):
    n, din = x.shape
    e = edge_index.shape[1]
    dh = W1.shape[1]

    src = edge_index[0]
    dst = edge_index[1]

    rpt = (n // NS) // 8 * 8
    rem = n - rpt * NS
    ones_w = jnp.ones((CH, 128), jnp.float32)
    zeros_d = jnp.zeros((rpt + rem, dh), jnp.float32)

    deg_kernel = _make_deg_kernel(n, e)
    agg_kernel = _make_agg_kernel(n, e, dh)

    xw1 = _tc0(x, W1)
    deg_a, deg_b = deg_kernel(dst, ones_w, zeros_d)
    z1, dinv16 = _tc1(xw1, deg_a, deg_b)
    acc_a1, acc_b1 = agg_kernel(z1, src, dst, zeros_d)
    z2 = _tc2(acc_a1, acc_b1, z1, dinv16, W2, b1.reshape(1, -1))
    acc_a2, acc_b2 = agg_kernel(z2, src, dst, zeros_d)
    y0, y1, fx = _tc3(
        acc_a2, acc_b2, z2, dinv16, b2.reshape(1, -1),
        Wf1, bf1.reshape(1, -1), Wf2, bf2.reshape(1, -1),
        Wt0, bt0.reshape(1, -1), Wt1, bt1.reshape(1, -1))
    return (y0, y1, fx)

# --- scband reference (transcript-rebuilt; emitter-appended) ---
"""Pipeline reference for scband-gcnmodel-31645319036999 (READ-ONLY COPY).

The authoritative reference and input builder live on the scoring server;
editing this copy changes nothing except your own understanding.
"""

import jax, jax.numpy as jnp
import numpy as np

N = 10000
E = 320000
D_IN = 128
D_HID = 128
D_FC = 128
TASK_CLASSES = [10, 10]


def setup_inputs(seed: int = 0):
    key = jax.random.key(seed)
    ks = jax.random.split(key, 16)
    inp = {}
    inp["x"] = jax.random.normal(ks[0], (N, D_IN), dtype=jnp.float32)
    inp["edge_index"] = jax.random.randint(ks[1], (2, E), 0, N, dtype=jnp.int32)
    s1 = 1.0 / np.sqrt(D_IN)
    s2 = 1.0 / np.sqrt(D_HID)
    s3 = 1.0 / np.sqrt(D_FC)
    inp["W1"] = jax.random.uniform(ks[2], (D_IN, D_HID), jnp.float32, -s1, s1)
    inp["b1"] = jax.random.uniform(ks[3], (D_HID,), jnp.float32, -s1, s1)
    inp["W2"] = jax.random.uniform(ks[4], (D_HID, D_HID), jnp.float32, -s2, s2)
    inp["b2"] = jax.random.uniform(ks[5], (D_HID,), jnp.float32, -s2, s2)
    inp["Wf1"] = jax.random.uniform(ks[6], (D_HID, D_FC), jnp.float32, -s2, s2)
    inp["bf1"] = jax.random.uniform(ks[7], (D_FC,), jnp.float32, -s2, s2)
    inp["Wf2"] = jax.random.uniform(ks[8], (D_FC, D_FC), jnp.float32, -s3, s3)
    inp["bf2"] = jax.random.uniform(ks[9], (D_FC,), jnp.float32, -s3, s3)
    inp["Wt0"] = jax.random.uniform(ks[10], (D_FC, TASK_CLASSES[0]), jnp.float32, -s3, s3)
    inp["bt0"] = jax.random.uniform(ks[11], (TASK_CLASSES[0],), jnp.float32, -s3, s3)
    inp["Wt1"] = jax.random.uniform(ks[12], (D_FC, TASK_CLASSES[1]), jnp.float32, -s3, s3)
    inp["bt1"] = jax.random.uniform(ks[13], (TASK_CLASSES[1],), jnp.float32, -s3, s3)
    return inp


def gcn_conv(x, edge_index, W, b):
    # PyG GCNConv (eval): y = D^{-1/2} (A + I) D^{-1/2} (x W) + b
    n = x.shape[0]
    loop = jnp.arange(n, dtype=edge_index.dtype)
    src = jnp.concatenate([edge_index[0], loop])
    dst = jnp.concatenate([edge_index[1], loop])
    deg = jnp.zeros((n,), dtype=x.dtype).at[dst].add(1.0)
    dinv = jax.lax.rsqrt(jnp.maximum(deg, 1e-12))
    norm = dinv[src] * dinv[dst]
    xw = x @ W
    msg = jnp.take(xw, src, axis=0) * norm[:, None]
    out = jax.ops.segment_sum(msg, dst, num_segments=n)
    return out + b


def reference(x, edge_index, W1, b1, W2, b2, Wf1, bf1, Wf2, bf2, Wt0, bt0, Wt1, bt1):
    # dropout layers are identity in eval mode
    h = jax.nn.relu(gcn_conv(x, edge_index, W1, b1))
    h = jax.nn.relu(gcn_conv(h, edge_index, W2, b2))
    feature_x = jax.nn.relu(h @ Wf1 + bf1)
    h2 = jax.nn.relu(feature_x @ Wf2 + bf2)
    y0 = h2 @ Wt0 + bt0
    y1 = h2 @ Wt1 + bt1
    return (y0, y1, feature_x)

if __name__ == "__main__":
    import jax
    _d = setup_inputs()
    print(jax.jit(kernel)(*tuple(_d.values())))

</pallas_src>

<mosaic_0001>
#map = affine_map<(d0, d1) -> (0, 0)>
#map1 = affine_map<(d0, d1) -> (0)>
module attributes {stable_mosaic.version = 14 : i64} {
  func.func @agg_kernel(%arg0: i32, %arg1: i32, %arg2: memref<10000x128xf32, #tpu.memory_space<hbm>>, %arg3: memref<320000xi32, #tpu.memory_space<hbm>>, %arg4: memref<320000xi32, #tpu.memory_space<hbm>>, %arg5: memref<640x128xf32, #tpu.memory_space<hbm>>, %arg6: memref<10000x128xf32, #tpu.memory_space<hbm>>, %arg7: memref<10000x128xf32, #tpu.memory_space<hbm>>, %arg8: memref<10000xi32, #tpu.memory_space<vmem>>, %arg9: memref<80xi32, #tpu.memory_space<vmem>>, %arg10: memref<80xi32, #tpu.memory_space<vmem>>, %arg11: memref<80xi32, #tpu.memory_space<vmem>>, %arg12: memref<80x128xf32, #tpu.memory_space<vmem>>, %arg13: memref<80x128xf32, #tpu.memory_space<vmem>>, %arg14: memref<80x128xf32, #tpu.memory_space<vmem>>, %arg15: memref<10000x128xf32, #tpu.memory_space<vmem_shared>>, %arg16: memref<!tpu.dma_semaphore, #tpu.memory_space<semaphore_mem>>, %arg17: memref<!tpu.dma_semaphore, #tpu.memory_space<semaphore_mem>>, %arg18: memref<!tpu.dma_semaphore, #tpu.memory_space<semaphore_mem>>, %arg19: memref<!tpu.dma_semaphore, #tpu.memory_space<semaphore_mem>>, %arg20: memref<!tpu.dma_semaphore, #tpu.memory_space<semaphore_mem>>, %arg21: memref<!tpu.dma_semaphore, #tpu.memory_space<semaphore_mem>>, %arg22: memref<!tpu.dma_semaphore, #tpu.memory_space<semaphore_mem>>, %arg23: memref<!tpu.dma_semaphore, #tpu.memory_space<semaphore_mem>>, %arg24: memref<!tpu.dma_semaphore, #tpu.memory_space<semaphore_mem>>) attributes {dimension_semantics = [#tpu.dimension_semantics<core_parallel>, #tpu.dimension_semantics<subcore_parallel>], iteration_bounds = array<i64: 2, 16>, scalar_prefetch = 0 : i64, scratch_operands = 17 : i64, tpu.core_type = #tpu.core_type<sc_vector_subcore>, window_params = [{transform_indices = #map}, {transform_indices = #map1}, {transform_indices = #map1}, {transform_indices = #map}, {transform_indices = #map}, {transform_indices = #map}]} {
    %mul3A = arith.constant 16 : i32
    %mul3A_0 = arith.muli %arg0, %mul3A : i32
    %add3A = arith.addi %mul3A_0, %arg1 : i32
    %mul3A_1 = arith.constant 624 : i32
    %mul3A_2 = arith.muli %arg1, %mul3A_1 : i32
    "tpu.region"() ({
      %run_scoped3A = tpu.sem_alloc : memref<!tpu.dma_semaphore, #tpu.memory_space<semaphore_mem>>
      %dma_start3A = arith.constant 0 : i32
      %dma_start3A_23 = tpu.memref_slice %arg15[%mul3A_2, %dma_start3A] : memref<10000x128xf32, #tpu.memory_space<vmem_shared>> -> memref<624x128xf32, #tpu.memory_space<vmem_shared>>
      %dma_start3A_24 = arith.constant 0 : i32
      %dma_start3A_25 = arith.constant 0 : i32
      %dma_start3A_26 = tpu.memref_slice %arg5[%dma_start3A_24, %dma_start3A_25] : memref<640x128xf32, #tpu.memory_space<hbm>> -> memref<624x128xf32, #tpu.memory_space<hbm>>
      tpu.enqueue_dma source(%dma_start3A_26 : memref<624x128xf32, #tpu.memory_space<hbm>>) target(%dma_start3A_23 : memref<624x128xf32, #tpu.memory_space<vmem_shared>>) target_semaphore(%run_scoped3A : memref<!tpu.dma_semaphore, #tpu.memory_space<semaphore_mem>>)
      %dma_wait3A = arith.constant 0 : i32
      %dma_wait3A_27 = tpu.memref_slice %arg15[%mul3A_2, %dma_wait3A] : memref<10000x128xf32, #tpu.memory_space<vmem_shared>> -> memref<624x128xf32, #tpu.memory_space<vmem_shared>>
      %dma_wait3A_28 = arith.constant 0 : i32
      %dma_wait3A_29 = arith.constant 0 : i32
      %dma_wait3A_30 = tpu.memref_slice %arg5[%dma_wait3A_28, %dma_wait3A_29] : memref<640x128xf32, #tpu.memory_space<hbm>> -> memref<624x128xf32, #tpu.memory_space<hbm>>
      tpu.wait_dma2 semaphore(%run_scoped3A : memref<!tpu.dma_semaphore, #tpu.memory_space<semaphore_mem>>) src(%dma_wait3A_30 : memref<624x128xf32, #tpu.memory_space<hbm>>) dst(%dma_wait3A_27 : memref<624x128xf32, #tpu.memory_space<vmem_shared>>)
      tpu.yield
    }) : () -> ()
    %eq3A = arith.constant 15 : i32
    %eq3A_3 = arith.cmpi eq, %arg1, %eq3A : i32
    %convert_element_type3A = arith.extui %eq3A_3 : i1 to i32
    %cond3A = arith.constant 0 : i32
    %cond3A_4 = arith.cmpi ne, %convert_element_type3A, %cond3A : i32
    scf.if %cond3A_4 {
      "tpu.region"() ({
        %run_scoped3A = tpu.sem_alloc : memref<!tpu.dma_semaphore, #tpu.memory_space<semaphore_mem>>
        %dma_start3A = arith.constant 9984 : i32
        %dma_start3A_23 = arith.constant 0 : i32
        %dma_start3A_24 = tpu.memref_slice %arg15[%dma_start3A, %dma_start3A_23] : memref<10000x128xf32, #tpu.memory_space<vmem_shared>> -> memref<16x128xf32, #tpu.memory_space<vmem_shared>>
        %dma_start3A_25 = arith.constant 624 : i32
        %dma_start3A_26 = arith.constant 0 : i32
        %dma_start3A_27 = tpu.memref_slice %arg5[%dma_start3A_25, %dma_start3A_26] : memref<640x128xf32, #tpu.memory_space<hbm>> -> memref<16x128xf32, #tpu.memory_space<hbm>>
        tpu.enqueue_dma source(%dma_start3A_27 : memref<16x128xf32, #tpu.memory_space<hbm>>) target(%dma_start3A_24 : memref<16x128xf32, #tpu.memory_space<vmem_shared>>) target_semaphore(%run_scoped3A : memref<!tpu.dma_semaphore, #tpu.memory_space<semaphore_mem>>)
        %dma_wait3A = arith.constant 9984 : i32
        %dma_wait3A_28 = arith.constant 0 : i32
        %dma_wait3A_29 = tpu.memref_slice %arg15[%dma_wait3A, %dma_wait3A_28] : memref<10000x128xf32, #tpu.memory_space<vmem_shared>> -> memref<16x128xf32, #tpu.memory_space<vmem_shared>>
        %dma_wait3A_30 = arith.constant 624 : i32
        %dma_wait3A_31 = arith.constant 0 : i32
        %dma_wait3A_32 = tpu.memref_slice %arg5[%dma_wait3A_30, %dma_wait3A_31] : memref<640x128xf32, #tpu.memory_space<hbm>> -> memref<16x128xf32, #tpu.memory_space<hbm>>
        tpu.wait_dma2 semaphore(%run_scoped3A : memref<!tpu.dma_semaphore, #tpu.memory_space<semaphore_mem>>) src(%dma_wait3A_32 : memref<16x128xf32, #tpu.memory_space<hbm>>) dst(%dma_wait3A_29 : memref<16x128xf32, #tpu.memory_space<vmem_shared>>)
        tpu.yield
      }) : () -> ()
    } else {
    }
    %mul3A_5 = arith.constant 10000 : i32
    %mul3A_6 = arith.muli %add3A, %mul3A_5 : i32
    %multiple_of3A = tpu.assume_multiple %mul3A_6, 8 : i32
    "tpu.region"() ({
      %run_scoped3A = tpu.sem_alloc : memref<!tpu.dma_semaphore, #tpu.memory_space<semaphore_mem>>
      %dma_start3A = tpu.memref_slice %arg3[%multiple_of3A] : memref<320000xi32, #tpu.memory_space<hbm>> -> memref<10000xi32, #tpu.memory_space<hbm>>
      %dma_start3A_23 = tpu.memref_slice %arg3[%multiple_of3A] : memref<320000xi32, #tpu.memory_space<hbm>> -> memref<10000xi32, #tpu.memory_space<hbm>>
      tpu.enqueue_dma source(%dma_start3A_23 : memref<10000xi32, #tpu.memory_space<hbm>>) target(%arg8 : memref<10000xi32, #tpu.memory_space<vmem>>) target_semaphore(%run_scoped3A : memref<!tpu.dma_semaphore, #tpu.memory_space<semaphore_mem>>)
      %dma_wait3A = tpu.memref_slice %arg3[%multiple_of3A] : memref<320000xi32, #tpu.memory_space<hbm>> -> memref<10000xi32, #tpu.memory_space<hbm>>
      %dma_wait3A_24 = tpu.memref_slice %arg3[%multiple_of3A] : memref<320000xi32, #tpu.memory_space<hbm>> -> memref<10000xi32, #tpu.memory_space<hbm>>
      tpu.wait_dma2 semaphore(%run_scoped3A : memref<!tpu.dma_semaphore, #tpu.memory_space<semaphore_mem>>) src(%dma_wait3A_24 : memref<10000xi32, #tpu.memory_space<hbm>>) dst(%arg8 : memref<10000xi32, #tpu.memory_space<vmem>>)
      tpu.yield
    }) : () -> ()
    %barrier3A = arith.constant 0 : index
    tpu.barrier barrier_id(%barrier3A)
    %scan3A = arith.constant 0 : i32
    %scan3A_7 = arith.constant 0 : i32
    %scan3A_8 = arith.constant 43 : i32
    %scan3A_9 = arith.addi %scan3A_7, %scan3A_8 : i32
    %scan3A_10 = arith.constant 1 : i32
    scf.for %scan3A_23 = %scan3A_7 to %scan3A_9 step %scan3A_10  : i32 {
      %mul3A_24 = arith.constant 3 : i32
      %mul3A_25 = arith.muli %mul3A_24, %scan3A_23 : i32
      %add3A_26 = arith.constant 0 : i32
      %add3A_27 = arith.addi %mul3A_25, %add3A_26 : i32
      %ge3A = arith.constant 3 : i32
      %ge3A_28 = arith.cmpi sge, %add3A_27, %ge3A : i32
      %lt3A = arith.constant 128 : i32
      %lt3A_29 = arith.cmpi slt, %add3A_27, %lt3A : i32
      %and3A = arith.andi %ge3A_28, %lt3A_29 : i1
      %convert_element_type3A_30 = arith.extui %and3A : i1 to i32
      %cond3A_31 = arith.constant 0 : i32
      %cond3A_32 = arith.cmpi ne, %convert_element_type3A_30, %cond3A_31 : i32
      scf.if %cond3A_32 {
        %dma_wait3A = arith.constant 0 : i32
        %dma_wait3A_95 = arith.constant 0 : i32
        %dma_wait3A_96 = tpu.memref_slice %arg15[%dma_wait3A, %dma_wait3A_95] : memref<10000x128xf32, #tpu.memory_space<vmem_shared>> -> memref<10000x128xf32, #tpu.memory_space<vmem_shared>>
        tpu.wait_indirect_dma semaphore(%arg22 : memref<!tpu.dma_semaphore, #tpu.memory_space<semaphore_mem>>) src(%arg12 : memref<80x128xf32, #tpu.memory_space<vmem>>) dst(%dma_wait3A_96 : memref<10000x128xf32, #tpu.memory_space<vmem_shared>>)
      } else {
      }
      %lt3A_33 = arith.constant 125 : i32
      %lt3A_34 = arith.cmpi slt, %add3A_27, %lt3A_33 : i32
      %convert_element_type3A_35 = arith.extui %lt3A_34 : i1 to i32
      %cond3A_36 = arith.constant 0 : i32
      %cond3A_37 = arith.cmpi ne, %convert_element_type3A_35, %cond3A_36 : i32
      scf.if %cond3A_37 {
        %mul3A_95 = arith.constant 80 : i32
        %mul3A_96 = arith.muli %add3A_27, %mul3A_95 : i32
        %multiple_of3A_97 = tpu.assume_multiple %mul3A_96, 8 : i32
        %dma_start3A = tpu.memref_slice %arg8[%multiple_of3A_97] : memref<10000xi32, #tpu.memory_space<vmem>> -> memref<80xi32, #tpu.memory_space<vmem>>
        %dma_start3A_98 = arith.constant 0 : i32
        %dma_start3A_99 = arith.constant 0 : i32
        %dma_start3A_100 = tpu.memref_slice %arg2[%dma_start3A_98, %dma_start3A_99] : memref<10000x128xf32, #tpu.memory_space<hbm>> -> memref<10000x128xf32, #tpu.memory_space<hbm>>
        tpu.enqueue_indirect_dma source(%dma_start3A_100 : memref<10000x128xf32, #tpu.memory_space<hbm>>) target(%arg12 : memref<80x128xf32, #tpu.memory_space<vmem>>) offsets(%dma_start3A : memref<80xi32, #tpu.memory_space<vmem>>) semaphore(%arg16 : memref<!tpu.dma_semaphore, #tpu.memory_space<semaphore_mem>>)
        %mul3A_101 = arith.constant 80 : i32
        %mul3A_102 = arith.muli %add3A_27, %mul3A_101 : i32
        %add3A_103 = arith.addi %multiple_of3A, %mul3A_102 : i32
        %multiple_of3A_104 = tpu.assume_multiple %add3A_103, 8 : i32
        %dma_start3A_105 = tpu.memref_slice %arg4[%multiple_of3A_104] : memref<320000xi32, #tpu.memory_space<hbm>> -> memref<80xi32, #tpu.memory_space<hbm>>
        %dma_start3A_106 = tpu.memref_slice %arg4[%multiple_of3A_104] : memref<320000xi32, #tpu.memory_space<hbm>> -> memref<80xi32, #tpu.memory_space<hbm>>
        tpu.enqueue_dma source(%dma_start3A_106 : memref<80xi32, #tpu.memory_space<hbm>>) target(%arg9 : memref<80xi32, #tpu.memory_space<vmem>>) target_semaphore(%arg19 : memref<!tpu.dma_semaphore, #tpu.memory_space<semaphore_mem>>)
      } else {
      }
      %ge3A_38 = arith.constant 2 : i32
      %ge3A_39 = arith.cmpi sge, %add3A_27, %ge3A_38 : i32
      %le3A = arith.constant 126 : i32
      %le3A_40 = arith.cmpi sle, %add3A_27, %le3A : i32
      %and3A_41 = arith.andi %ge3A_39, %le3A_40 : i1
      %convert_element_type3A_42 = arith.extui %and3A_41 : i1 to i32
      %cond3A_43 = arith.constant 0 : i32
      %cond3A_44 = arith.cmpi ne, %convert_element_type3A_42, %cond3A_43 : i32
      scf.if %cond3A_44 {
        %multiple_of3A_95 = arith.constant 0 : i32
        %multiple_of3A_96 = tpu.assume_multiple %multiple_of3A_95, 8 : i32
        %dma_wait3A = tpu.memref_slice %arg8[%multiple_of3A_96] : memref<10000xi32, #tpu.memory_space<vmem>> -> memref<80xi32, #tpu.memory_space<vmem>>
        %dma_wait3A_97 = arith.constant 0 : i32
        %dma_wait3A_98 = arith.constant 0 : i32
        %dma_wait3A_99 = tpu.memref_slice %arg2[%dma_wait3A_97, %dma_wait3A_98] : memref<10000x128xf32, #tpu.memory_space<hbm>> -> memref<10000x128xf32, #tpu.memory_space<hbm>>
        tpu.wait_indirect_dma semaphore(%arg17 : memref<!tpu.dma_semaphore, #tpu.memory_space<semaphore_mem>>) src(%dma_wait3A_99 : memref<10000x128xf32, #tpu.memory_space<hbm>>) dst(%arg13 : memref<80x128xf32, #tpu.memory_space<vmem>>)
        %dma_wait3A_100 = tpu.memref_slice %arg4[%multiple_of3A] : memref<320000xi32, #tpu.memory_space<hbm>> -> memref<80xi32, #tpu.memory_space<hbm>>
        %dma_wait3A_101 = tpu.memref_slice %arg4[%multiple_of3A] : memref<320000xi32, #tpu.memory_space<hbm>> -> memref<80xi32, #tpu.memory_space<hbm>>
        tpu.wait_dma2 semaphore(%arg20 : memref<!tpu.dma_semaphore, #tpu.memory_space<semaphore_mem>>) src(%dma_wait3A_101 : memref<80xi32, #tpu.memory_space<hbm>>) dst(%arg10 : memref<80xi32, #tpu.memory_space<vmem>>)
        %dma_start3A = arith.constant 0 : i32
        %dma_start3A_102 = arith.constant 0 : i32
        %dma_start3A_103 = tpu.memref_slice %arg15[%dma_start3A, %dma_start3A_102] : memref<10000x128xf32, #tpu.memory_space<vmem_shared>> -> memref<10000x128xf32, #tpu.memory_space<vmem_shared>>
        tpu.enqueue_indirect_dma source(%arg13 : memref<80x128xf32, #tpu.memory_space<vmem>>) target(%dma_start3A_103 : memref<10000x128xf32, #tpu.memory_space<vmem_shared>>) offsets(%arg10 : memref<80xi32, #tpu.memory_space<vmem>>) semaphore(%arg23 : memref<!tpu.dma_semaphore, #tpu.memory_space<semaphore_mem>>) {add = true}
      } else {
      }
      %mul3A_45 = arith.constant 3 : i32
      %mul3A_46 = arith.muli %mul3A_45, %scan3A_23 : i32
      %add3A_47 = arith.constant 1 : i32
      %add3A_48 = arith.addi %mul3A_46, %add3A_47 : i32
      %ge3A_49 = arith.constant 3 : i32
      %ge3A_50 = arith.cmpi sge, %add3A_48, %ge3A_49 : i32
      %lt3A_51 = arith.constant 128 : i32
      %lt3A_52 = arith.cmpi slt, %add3A_48, %lt3A_51 : i32
      %and3A_53 = arith.andi %ge3A_50, %lt3A_52 : i1
      %convert_element_type3A_54 = arith.extui %and3A_53 : i1 to i32
      %cond3A_55 = arith.constant 0 : i32
      %cond3A_56 = arith.cmpi ne, %convert_element_type3A_54, %cond3A_55 : i32
      scf.if %cond3A_56 {
        %dma_wait3A = arith.constant 0 : i32
        %dma_wait3A_95 = arith.constant 0 : i32
        %dma_wait3A_96 = tpu.memref_slice %arg15[%dma_wait3A, %dma_wait3A_95] : memref<10000x128xf32, #tpu.memory_space<vmem_shared>> -> memref<10000x128xf32, #tpu.memory_space<vmem_shared>>
        tpu.wait_indirect_dma semaphore(%arg23 : memref<!tpu.dma_semaphore, #tpu.memory_space<semaphore_mem>>) src(%arg13 : memref<80x128xf32, #tpu.memory_space<vmem>>) dst(%dma_wait3A_96 : memref<10000x128xf32, #tpu.memory_space<vmem_shared>>)
      } else {
      }
      %lt3A_57 = arith.constant 125 : i32
      %lt3A_58 = arith.cmpi slt, %add3A_48, %lt3A_57 : i32
      %convert_element_type3A_59 = arith.extui %lt3A_58 : i1 to i32
      %cond3A_60 = arith.constant 0 : i32
      %cond3A_61 = arith.cmpi ne, %convert_element_type3A_59, %cond3A_60 : i32
      scf.if %cond3A_61 {
        %mul3A_95 = arith.constant 80 : i32
        %mul3A_96 = arith.muli %add3A_48, %mul3A_95 : i32
        %multiple_of3A_97 = tpu.assume_multiple %mul3A_96, 8 : i32
        %dma_start3A = tpu.memref_slice %arg8[%multiple_of3A_97] : memref<10000xi32, #tpu.memory_space<vmem>> -> memref<80xi32, #tpu.memory_space<vmem>>
        %dma_start3A_98 = arith.constant 0 : i32
        %dma_start3A_99 = arith.constant 0 : i32
        %dma_start3A_100 = tpu.memref_slice %arg2[%dma_start3A_98, %dma_start3A_99] : memref<10000x128xf32, #tpu.memory_space<hbm>> -> memref<10000x128xf32, #tpu.memory_space<hbm>>
        tpu.enqueue_indirect_dma source(%dma_start3A_100 : memref<10000x128xf32, #tpu.memory_space<hbm>>) target(%arg13 : memref<80x128xf32, #tpu.memory_space<vmem>>) offsets(%dma_start3A : memref<80xi32, #tpu.memory_space<vmem>>) semaphore(%arg17 : memref<!tpu.dma_semaphore, #tpu.memory_space<semaphore_mem>>)
        %mul3A_101 = arith.constant 80 : i32
        %mul3A_102 = arith.muli %add3A_48, %mul3A_101 : i32
        %add3A_103 = arith.addi %multiple_of3A, %mul3A_102 : i32
        %multiple_of3A_104 = tpu.assume_multiple %add3A_103, 8 : i32
        %dma_start3A_105 = tpu.memref_slice %arg4[%multiple_of3A_104] : memref<320000xi32, #tpu.memory_space<hbm>> -> memref<80xi32, #tpu.memory_space<hbm>>
        %dma_start3A_106 = tpu.memref_slice %arg4[%multiple_of3A_104] : memref<320000xi32, #tpu.memory_space<hbm>> -> memref<80xi32, #tpu.memory_space<hbm>>
        tpu.enqueue_dma source(%dma_start3A_106 : memref<80xi32, #tpu.memory_space<hbm>>) target(%arg10 : memref<80xi32, #tpu.memory_space<vmem>>) target_semaphore(%arg20 : memref<!tpu.dma_semaphore, #tpu.memory_space<semaphore_mem>>)
      } else {
      }
      %ge3A_62 = arith.constant 2 : i32
      %ge3A_63 = arith.cmpi sge, %add3A_48, %ge3A_62 : i32
      %le3A_64 = arith.constant 126 : i32
      %le3A_65 = arith.cmpi sle, %add3A_48, %le3A_64 : i32
      %and3A_66 = arith.andi %ge3A_63, %le3A_65 : i1
      %convert_element_type3A_67 = arith.extui %and3A_66 : i1 to i32
      %cond3A_68 = arith.constant 0 : i32
      %cond3A_69 = arith.cmpi ne, %convert_element_type3A_67, %cond3A_68 : i32
      scf.if %cond3A_69 {
        %multiple_of3A_95 = arith.constant 0 : i32
        %multiple_of3A_96 = tpu.assume_multiple %multiple_of3A_95, 8 : i32
        %dma_wait3A = tpu.memref_slice %arg8[%multiple_of3A_96] : memref<10000xi32, #tpu.memory_space<vmem>> -> memref<80xi32, #tpu.memory_space<vmem>>
        %dma_wait3A_97 = arith.constant 0 : i32
        %dma_wait3A_98 = arith.constant 0 : i32
        %dma_wait3A_99 = tpu.memref_slice %arg2[%dma_wait3A_97, %dma_wait3A_98] : memref<10000x128xf32, #tpu.memory_space<hbm>> -> memref<10000x128xf32, #tpu.memory_space<hbm>>
        tpu.wait_indirect_dma semaphore(%arg18 : memref<!tpu.dma_semaphore, #tpu.memory_space<semaphore_mem>>) src(%dma_wait3A_99 : memref<10000x128xf32, #tpu.memory_space<hbm>>) dst(%arg14 : memref<80x128xf32, #tpu.memory_space<vmem>>)
        %dma_wait3A_100 = tpu.memref_slice %arg4[%multiple_of3A] : memref<320000xi32, #tpu.memory_space<hbm>> -> memref<80xi32, #tpu.memory_space<hbm>>
        %dma_wait3A_101 = tpu.memref_slice %arg4[%multiple_of3A] : memref<320000xi32, #tpu.memory_space<hbm>> -> memref<80xi32, #tpu.memory_space<hbm>>
        tpu.wait_dma2 semaphore(%arg21 : memref<!tpu.dma_semaphore, #tpu.memory_space<semaphore_mem>>) src(%dma_wait3A_101 : memref<80xi32, #tpu.memory_space<hbm>>) dst(%arg11 : memref<80xi32, #tpu.memory_space<vmem>>)
        %dma_start3A = arith.constant 0 : i32
        %dma_start3A_102 = arith.constant 0 : i32
        %dma_start3A_103 = tpu.memref_slice %arg15[%dma_start3A, %dma_start3A_102] : memref<10000x128xf32, #tpu.memory_space<vmem_shared>> -> memref<10000x128xf32, #tpu.memory_space<vmem_shared>>
        tpu.enqueue_indirect_dma source(%arg14 : memref<80x128xf32, #tpu.memory_space<vmem>>) target(%dma_start3A_103 : memref<10000x128xf32, #tpu.memory_space<vmem_shared>>) offsets(%arg11 : memref<80xi32, #tpu.memory_space<vmem>>) semaphore(%arg24 : memref<!tpu.dma_semaphore, #tpu.memory_space<semaphore_mem>>) {add = true}
      } else {
      }
      %mul3A_70 = arith.constant 3 : i32
      %mul3A_71 = arith.muli %mul3A_70, %scan3A_23 : i32
      %add3A_72 = arith.constant 2 : i32
      %add3A_73 = arith.addi %mul3A_71, %add3A_72 : i32
      %ge3A_74 = arith.constant 3 : i32
      %ge3A_75 = arith.cmpi sge, %add3A_73, %ge3A_74 : i32
      %lt3A_76 = arith.constant 128 : i32
      %lt3A_77 = arith.cmpi slt, %add3A_73, %lt3A_76 : i32
      %and3A_78 = arith.andi %ge3A_75, %lt3A_77 : i1
      %convert_element_type3A_79 = arith.extui %and3A_78 : i1 to i32
      %cond3A_80 = arith.constant 0 : i32
      %cond3A_81 = arith.cmpi ne, %convert_element_type3A_79, %cond3A_80 : i32
      scf.if %cond3A_81 {
        %dma_wait3A = arith.constant 0 : i32
        %dma_wait3A_95 = arith.constant 0 : i32
        %dma_wait3A_96 = tpu.memref_slice %arg15[%dma_wait3A, %dma_wait3A_95] : memref<10000x128xf32, #tpu.memory_space<vmem_shared>> -> memref<10000x128xf32, #tpu.memory_space<vmem_shared>>
        tpu.wait_indirect_dma semaphore(%arg24 : memref<!tpu.dma_semaphore, #tpu.memory_space<semaphore_mem>>) src(%arg14 : memref<80x128xf32, #tpu.memory_space<vmem>>) dst(%dma_wait3A_96 : memref<10000x128xf32, #tpu.memory_space<vmem_shared>>)
      } else {
      }
      %lt3A_82 = arith.constant 125 : i32
      %lt3A_83 = arith.cmpi slt, %add3A_73, %lt3A_82 : i32
      %convert_element_type3A_84 = arith.extui %lt3A_83 : i1 to i32
      %cond3A_85 = arith.constant 0 : i32
      %cond3A_86 = arith.cmpi ne, %convert_element_type3A_84, %cond3A_85 : i32
      scf.if %cond3A_86 {
        %mul3A_95 = arith.constant 80 : i32
        %mul3A_96 = arith.muli %add3A_73, %mul3A_95 : i32
        %multiple_of3A_97 = tpu.assume_multiple %mul3A_96, 8 : i32
        %dma_start3A = tpu.memref_slice %arg8[%multiple_of3A_97] : memref<10000xi32, #tpu.memory_space<vmem>> -> memref<80xi32, #tpu.memory_space<vmem>>
        %dma_start3A_98 = arith.constant 0 : i32
        %dma_start3A_99 = arith.constant 0 : i32
        %dma_start3A_100 = tpu.memref_slice %arg2[%dma_start3A_98, %dma_start3A_99] : memref<10000x128xf32, #tpu.memory_space<hbm>> -> memref<10000x128xf32, #tpu.memory_space<hbm>>
        tpu.enqueue_indirect_dma source(%dma_start3A_100 : memref<10000x128xf32, #tpu.memory_space<hbm>>) target(%arg14 : memref<80x128xf32, #tpu.memory_space<vmem>>) offsets(%dma_start3A : memref<80xi32, #tpu.memory_space<vmem>>) semaphore(%arg18 : memref<!tpu.dma_semaphore, #tpu.memory_space<semaphore_mem>>)
        %mul3A_101 = arith.constant 80 : i32
        %mul3A_102 = arith.muli %add3A_73, %mul3A_101 : i32
        %add3A_103 = arith.addi %multiple_of3A, %mul3A_102 : i32
        %multiple_of3A_104 = tpu.assume_multiple %add3A_103, 8 : i32
        %dma_start3A_105 = tpu.memref_slice %arg4[%multiple_of3A_104] : memref<320000xi32, #tpu.memory_space<hbm>> -> memref<80xi32, #tpu.memory_space<hbm>>
        %dma_start3A_106 = tpu.memref_slice %arg4[%multiple_of3A_104] : memref<320000xi32, #tpu.memory_space<hbm>> -> memref<80xi32, #tpu.memory_space<hbm>>
        tpu.enqueue_dma source(%dma_start3A_106 : memref<80xi32, #tpu.memory_space<hbm>>) target(%arg11 : memref<80xi32, #tpu.memory_space<vmem>>) target_semaphore(%arg21 : memref<!tpu.dma_semaphore, #tpu.memory_space<semaphore_mem>>)
      } else {
      }
      %ge3A_87 = arith.constant 2 : i32
      %ge3A_88 = arith.cmpi sge, %add3A_73, %ge3A_87 : i32
      %le3A_89 = arith.constant 126 : i32
      %le3A_90 = arith.cmpi sle, %add3A_73, %le3A_89 : i32
      %and3A_91 = arith.andi %ge3A_88, %le3A_90 : i1
      %convert_element_type3A_92 = arith.extui %and3A_91 : i1 to i32
      %cond3A_93 = arith.constant 0 : i32
      %cond3A_94 = arith.cmpi ne, %convert_element_type3A_92, %cond3A_93 : i32
      scf.if %cond3A_94 {
        %multiple_of3A_95 = arith.constant 0 : i32
        %multiple_of3A_96 = tpu.assume_multiple %multiple_of3A_95, 8 : i32
        %dma_wait3A = tpu.memref_slice %arg8[%multiple_of3A_96] : memref<10000xi32, #tpu.memory_space<vmem>> -> memref<80xi32, #tpu.memory_space<vmem>>
        %dma_wait3A_97 = arith.constant 0 : i32
        %dma_wait3A_98 = arith.constant 0 : i32
        %dma_wait3A_99 = tpu.memref_slice %arg2[%dma_wait3A_97, %dma_wait3A_98] : memref<10000x128xf32, #tpu.memory_space<hbm>> -> memref<10000x128xf32, #tpu.memory_space<hbm>>
        tpu.wait_indirect_dma semaphore(%arg16 : memref<!tpu.dma_semaphore, #tpu.memory_space<semaphore_mem>>) src(%dma_wait3A_99 : memref<10000x128xf32, #tpu.memory_space<hbm>>) dst(%arg12 : memref<80x128xf32, #tpu.memory_space<vmem>>)
        %dma_wait3A_100 = tpu.memref_slice %arg4[%multiple_of3A] : memref<320000xi32, #tpu.memory_space<hbm>> -> memref<80xi32, #tpu.memory_space<hbm>>
        %dma_wait3A_101 = tpu.memref_slice %arg4[%multiple_of3A] : memref<320000xi32, #tpu.memory_space<hbm>> -> memref<80xi32, #tpu.memory_space<hbm>>
        tpu.wait_dma2 semaphore(%arg19 : memref<!tpu.dma_semaphore, #tpu.memory_space<semaphore_mem>>) src(%dma_wait3A_101 : memref<80xi32, #tpu.memory_space<hbm>>) dst(%arg9 : memref<80xi32, #tpu.memory_space<vmem>>)
        %dma_start3A = arith.constant 0 : i32
        %dma_start3A_102 = arith.constant 0 : i32
        %dma_start3A_103 = tpu.memref_slice %arg15[%dma_start3A, %dma_start3A_102] : memref<10000x128xf32, #tpu.memory_space<vmem_shared>> -> memref<10000x128xf32, #tpu.memory_space<vmem_shared>>
        tpu.enqueue_indirect_dma source(%arg12 : memref<80x128xf32, #tpu.memory_space<vmem>>) target(%dma_start3A_103 : memref<10000x128xf32, #tpu.memory_space<vmem_shared>>) offsets(%arg9 : memref<80xi32, #tpu.memory_space<vmem>>) semaphore(%arg22 : memref<!tpu.dma_semaphore, #tpu.memory_space<semaphore_mem>>) {add = true}
      } else {
      }
    }
    %scan3A_11 = arith.constant 43 : i32
    %barrier3A_12 = arith.constant 0 : index
    tpu.barrier barrier_id(%barrier3A_12)
    %eq3A_13 = arith.constant 0 : i32
    %eq3A_14 = arith.cmpi eq, %arg0, %eq3A_13 : i32
    %convert_element_type3A_15 = arith.extui %eq3A_14 : i1 to i32
    %cond3A_16 = arith.constant 0 : i32
    %cond3A_17 = arith.cmpi ne, %convert_element_type3A_15, %cond3A_16 : i32
    scf.if %cond3A_17 {
      "tpu.region"() ({
        %run_scoped3A = tpu.sem_alloc : memref<!tpu.dma_semaphore, #tpu.memory_space<semaphore_mem>>
        %dma_start3A = arith.constant 0 : i32
        %dma_start3A_28 = tpu.memref_slice %arg6[%mul3A_2, %dma_start3A] : memref<10000x128xf32, #tpu.memory_space<hbm>> -> memref<624x128xf32, #tpu.memory_space<hbm>>
        %dma_start3A_29 = arith.constant 0 : i32
        %dma_start3A_30 = tpu.memref_slice %arg15[%mul3A_2, %dma_start3A_29] : memref<10000x128xf32, #tpu.memory_space<vmem_shared>> -> memref<624x128xf32, #tpu.memory_space<vmem_shared>>
        tpu.enqueue_dma source(%dma_start3A_30 : memref<624x128xf32, #tpu.memory_space<vmem_shared>>) target(%dma_start3A_28 : memref<624x128xf32, #tpu.memory_space<hbm>>) target_semaphore(%run_scoped3A : memref<!tpu.dma_semaphore, #tpu.memory_space<semaphore_mem>>)
        %dma_wait3A = arith.constant 0 : i32
        %dma_wait3A_31 = tpu.memref_slice %arg6[%mul3A_2, %dma_wait3A] : memref<10000x128xf32, #tpu.memory_space<hbm>> -> memref<624x128xf32, #tpu.memory_space<hbm>>
        %dma_wait3A_32 = arith.constant 0 : i32
        %dma_wait3A_33 = tpu.memref_slice %arg15[%mul3A_2, %dma_wait3A_32] : memref<10000x128xf32, #tpu.memory_space<vmem_shared>> -> memref<624x128xf32, #tpu.memory_space<vmem_shared>>
        tpu.wait_dma2 semaphore(%run_scoped3A : memref<!tpu.dma_semaphore, #tpu.memory_space<semaphore_mem>>) src(%dma_wait3A_33 : memref<624x128xf32, #tpu.memory_space<vmem_shared>>) dst(%dma_wait3A_31 : memref<624x128xf32, #tpu.memory_space<hbm>>)
        tpu.yield
      }) : () -> ()
      %eq3A_23 = arith.constant 15 : i32
      %eq3A_24 = arith.cmpi eq, %arg1, %eq3A_23 : i32
      %convert_element_type3A_25 = arith.extui %eq3A_24 : i1 to i32
      %cond3A_26 = arith.constant 0 : i32
      %cond3A_27 = arith.cmpi ne, %convert_element_type3A_25, %cond3A_26 : i32
      scf.if %cond3A_27 {
        "tpu.region"() ({
          %run_scoped3A = tpu.sem_alloc : memref<!tpu.dma_semaphore, #tpu.memory_space<semaphore_mem>>
          %dma_start3A = arith.constant 9984 : i32
          %dma_start3A_28 = arith.constant 0 : i32
          %dma_start3A_29 = tpu.memref_slice %arg6[%dma_start3A, %dma_start3A_28] : memref<10000x128xf32, #tpu.memory_space<hbm>> -> memref<16x128xf32, #tpu.memory_space<hbm>>
          %dma_start3A_30 = arith.constant 9984 : i32
          %dma_start3A_31 = arith.constant 0 : i32
          %dma_start3A_32 = tpu.memref_slice %arg15[%dma_start3A_30, %dma_start3A_31] : memref<10000x128xf32, #tpu.memory_space<vmem_shared>> -> memref<16x128xf32, #tpu.memory_space<vmem_shared>>
          tpu.enqueue_dma source(%dma_start3A_32 : memref<16x128xf32, #tpu.memory_space<vmem_shared>>) target(%dma_start3A_29 : memref<16x128xf32, #tpu.memory_space<hbm>>) target_semaphore(%run_scoped3A : memref<!tpu.dma_semaphore, #tpu.memory_space<semaphore_mem>>)
          %dma_wait3A = arith.constant 9984 : i32
          %dma_wait3A_33 = arith.constant 0 : i32
          %dma_wait3A_34 = tpu.memref_slice %arg6[%dma_wait3A, %dma_wait3A_33] : memref<10000x128xf32, #tpu.memory_space<hbm>> -> memref<16x128xf32, #tpu.memory_space<hbm>>
          %dma_wait3A_35 = arith.constant 9984 : i32
          %dma_wait3A_36 = arith.constant 0 : i32
          %dma_wait3A_37 = tpu.memref_slice %arg15[%dma_wait3A_35, %dma_wait3A_36] : memref<10000x128xf32, #tpu.memory_space<vmem_shared>> -> memref<16x128xf32, #tpu.memory_space<vmem_shared>>
          tpu.wait_dma2 semaphore(%run_scoped3A : memref<!tpu.dma_semaphore, #tpu.memory_space<semaphore_mem>>) src(%dma_wait3A_37 : memref<16x128xf32, #tpu.memory_space<vmem_shared>>) dst(%dma_wait3A_34 : memref<16x128xf32, #tpu.memory_space<hbm>>)
          tpu.yield
        }) : () -> ()
      } else {
      }
    } else {
    }
    %eq3A_18 = arith.constant 1 : i32
    %eq3A_19 = arith.cmpi eq, %arg0, %eq3A_18 : i32
    %convert_element_type3A_20 = arith.extui %eq3A_19 : i1 to i32
    %cond3A_21 = arith.constant 0 : i32
    %cond3A_22 = arith.cmpi ne, %convert_element_type3A_20, %cond3A_21 : i32
    scf.if %cond3A_22 {
      "tpu.region"() ({
        %run_scoped3A = tpu.sem_alloc : memref<!tpu.dma_semaphore, #tpu.memory_space<semaphore_mem>>
        %dma_start3A = arith.constant 0 : i32
        %dma_start3A_28 = tpu.memref_slice %arg7[%mul3A_2, %dma_start3A] : memref<10000x128xf32, #tpu.memory_space<hbm>> -> memref<624x128xf32, #tpu.memory_space<hbm>>
        %dma_start3A_29 = arith.constant 0 : i32
        %dma_start3A_30 = tpu.memref_slice %arg15[%mul3A_2, %dma_start3A_29] : memref<10000x128xf32, #tpu.memory_space<vmem_shared>> -> memref<624x128xf32, #tpu.memory_space<vmem_shared>>
        tpu.enqueue_dma source(%dma_start3A_30 : memref<624x128xf32, #tpu.memory_space<vmem_shared>>) target(%dma_start3A_28 : memref<624x128xf32, #tpu.memory_space<hbm>>) target_semaphore(%run_scoped3A : memref<!tpu.dma_semaphore, #tpu.memory_space<semaphore_mem>>)
        %dma_wait3A = arith.constant 0 : i32
        %dma_wait3A_31 = tpu.memref_slice %arg7[%mul3A_2, %dma_wait3A] : memref<10000x128xf32, #tpu.memory_space<hbm>> -> memref<624x128xf32, #tpu.memory_space<hbm>>
        %dma_wait3A_32 = arith.constant 0 : i32
        %dma_wait3A_33 = tpu.memref_slice %arg15[%mul3A_2, %dma_wait3A_32] : memref<10000x128xf32, #tpu.memory_space<vmem_shared>> -> memref<624x128xf32, #tpu.memory_space<vmem_shared>>
        tpu.wait_dma2 semaphore(%run_scoped3A : memref<!tpu.dma_semaphore, #tpu.memory_space<semaphore_mem>>) src(%dma_wait3A_33 : memref<624x128xf32, #tpu.memory_space<vmem_shared>>) dst(%dma_wait3A_31 : memref<624x128xf32, #tpu.memory_space<hbm>>)
        tpu.yield
      }) : () -> ()
      %eq3A_23 = arith.constant 15 : i32
      %eq3A_24 = arith.cmpi eq, %arg1, %eq3A_23 : i32
      %convert_element_type3A_25 = arith.extui %eq3A_24 : i1 to i32
      %cond3A_26 = arith.constant 0 : i32
      %cond3A_27 = arith.cmpi ne, %convert_element_type3A_25, %cond3A_26 : i32
      scf.if %cond3A_27 {
        "tpu.region"() ({
          %run_scoped3A = tpu.sem_alloc : memref<!tpu.dma_semaphore, #tpu.memory_space<semaphore_mem>>
          %dma_start3A = arith.constant 9984 : i32
          %dma_start3A_28 = arith.constant 0 : i32
          %dma_start3A_29 = tpu.memref_slice %arg7[%dma_start3A, %dma_start3A_28] : memref<10000x128xf32, #tpu.memory_space<hbm>> -> memref<16x128xf32, #tpu.memory_space<hbm>>
          %dma_start3A_30 = arith.constant 9984 : i32
          %dma_start3A_31 = arith.constant 0 : i32
          %dma_start3A_32 = tpu.memref_slice %arg15[%dma_start3A_30, %dma_start3A_31] : memref<10000x128xf32, #tpu.memory_space<vmem_shared>> -> memref<16x128xf32, #tpu.memory_space<vmem_shared>>
          tpu.enqueue_dma source(%dma_start3A_32 : memref<16x128xf32, #tpu.memory_space<vmem_shared>>) target(%dma_start3A_29 : memref<16x128xf32, #tpu.memory_space<hbm>>) target_semaphore(%run_scoped3A : memref<!tpu.dma_semaphore, #tpu.memory_space<semaphore_mem>>)
          %dma_wait3A = arith.constant 9984 : i32
          %dma_wait3A_33 = arith.constant 0 : i32
          %dma_wait3A_34 = tpu.memref_slice %arg7[%dma_wait3A, %dma_wait3A_33] : memref<10000x128xf32, #tpu.memory_space<hbm>> -> memref<16x128xf32, #tpu.memory_space<hbm>>
          %dma_wait3A_35 = arith.constant 9984 : i32
          %dma_wait3A_36 = arith.constant 0 : i32
          %dma_wait3A_37 = tpu.memref_slice %arg15[%dma_wait3A_35, %dma_wait3A_36] : memref<10000x128xf32, #tpu.memory_space<vmem_shared>> -> memref<16x128xf32, #tpu.memory_space<vmem_shared>>
          tpu.wait_dma2 semaphore(%run_scoped3A : memref<!tpu.dma_semaphore, #tpu.memory_space<semaphore_mem>>) src(%dma_wait3A_37 : memref<16x128xf32, #tpu.memory_space<vmem_shared>>) dst(%dma_wait3A_34 : memref<16x128xf32, #tpu.memory_space<hbm>>)
          tpu.yield
        }) : () -> ()
      } else {
      }
    } else {
    }
    return
  }
}

#map = affine_map<(d0, d1) -> (0, 0)>
#map1 = affine_map<(d0, d1) -> (0)>
module attributes {stable_mosaic.version = 14 : i64} {
  func.func @agg_kernel(%arg0: i32, %arg1: i32, %arg2: memref<10000x128xf32, #tpu.memory_space<hbm>>, %arg3: memref<320000xi32, #tpu.memory_space<hbm>>, %arg4: memref<320000xi32, #tpu.memory_space<hbm>>, %arg5: memref<640x128xf32, #tpu.memory_space<hbm>>, %arg6: memref<10000x128xf32, #tpu.memory_space<hbm>>, %arg7: memref<10000x128xf32, #tpu.memory_space<hbm>>, %arg8: memref<10000xi32, #tpu.memory_space<vmem>>, %arg9: memref<80xi32, #tpu.memory_space<vmem>>, %arg10: memref<80xi32, #tpu.memory_space<vmem>>, %arg11: memref<80xi32, #tpu.memory_space<vmem>>, %arg12: memref<80x128xf32, #tpu.memory_space<vmem>>, %arg13: memref<80x128xf32, #tpu.memory_space<vmem>>, %arg14: memref<80x128xf32, #tpu.memory_space<vmem>>, %arg15: memref<10000x128xf32, #tpu.memory_space<vmem_shared>>, %arg16: memref<!tpu.dma_semaphore, #tpu.memory_space<semaphore_mem>>, %arg17: memref<!tpu.dma_semaphore, #tpu.memory_space<semaphore_mem>>, %arg18: memref<!tpu.dma_semaphore, #tpu.memory_space<semaphore_mem>>, %arg19: memref<!tpu.dma_semaphore, #tpu.memory_space<semaphore_mem>>, %arg20: memref<!tpu.dma_semaphore, #tpu.memory_space<semaphore_mem>>, %arg21: memref<!tpu.dma_semaphore, #tpu.memory_space<semaphore_mem>>, %arg22: memref<!tpu.dma_semaphore, #tpu.memory_space<semaphore_mem>>, %arg23: memref<!tpu.dma_semaphore, #tpu.memory_space<semaphore_mem>>, %arg24: memref<!tpu.dma_semaphore, #tpu.memory_space<semaphore_mem>>) attributes {dimension_semantics = [#tpu.dimension_semantics<core_parallel>, #tpu.dimension_semantics<subcore_parallel>], iteration_bounds = array<i64: 2, 16>, scalar_prefetch = 0 : i64, scratch_operands = 17 : i64, tpu.core_type = #tpu.core_type<sc_vector_subcore>, window_params = [{transform_indices = #map}, {transform_indices = #map1}, {transform_indices = #map1}, {transform_indices = #map}, {transform_indices = #map}, {transform_indices = #map}]} {
    %mul3A = arith.constant 16 : i32
    %mul3A_0 = arith.muli %arg0, %mul3A : i32
    %add3A = arith.addi %mul3A_0, %arg1 : i32
    %mul3A_1 = arith.constant 624 : i32
    %mul3A_2 = arith.muli %arg1, %mul3A_1 : i32
    "tpu.region"() ({
      %run_scoped3A = tpu.sem_alloc : memref<!tpu.dma_semaphore, #tpu.memory_space<semaphore_mem>>
      %dma_start3A = arith.constant 0 : i32
      %dma_start3A_23 = tpu.memref_slice %arg15[%mul3A_2, %dma_start3A] : memref<10000x128xf32, #tpu.memory_space<vmem_shared>> -> memref<624x128xf32, #tpu.memory_space<vmem_shared>>
      %dma_start3A_24 = arith.constant 0 : i32
      %dma_start3A_25 = arith.constant 0 : i32
      %dma_start3A_26 = tpu.memref_slice %arg5[%dma_start3A_24, %dma_start3A_25] : memref<640x128xf32, #tpu.memory_space<hbm>> -> memref<624x128xf32, #tpu.memory_space<hbm>>
      tpu.enqueue_dma source(%dma_start3A_26 : memref<624x128xf32, #tpu.memory_space<hbm>>) target(%dma_start3A_23 : memref<624x128xf32, #tpu.memory_space<vmem_shared>>) target_semaphore(%run_scoped3A : memref<!tpu.dma_semaphore, #tpu.memory_space<semaphore_mem>>)
      %dma_wait3A = arith.constant 0 : i32
      %dma_wait3A_27 = tpu.memref_slice %arg15[%mul3A_2, %dma_wait3A] : memref<10000x128xf32, #tpu.memory_space<vmem_shared>> -> memref<624x128xf32, #tpu.memory_space<vmem_shared>>
      %dma_wait3A_28 = arith.constant 0 : i32
      %dma_wait3A_29 = arith.constant 0 : i32
      %dma_wait3A_30 = tpu.memref_slice %arg5[%dma_wait3A_28, %dma_wait3A_29] : memref<640x128xf32, #tpu.memory_space<hbm>> -> memref<624x128xf32, #tpu.memory_space<hbm>>
      tpu.wait_dma2 semaphore(%run_scoped3A : memref<!tpu.dma_semaphore, #tpu.memory_space<semaphore_mem>>) src(%dma_wait3A_30 : memref<624x128xf32, #tpu.memory_space<hbm>>) dst(%dma_wait3A_27 : memref<624x128xf32, #tpu.memory_space<vmem_shared>>)
      tpu.yield
    }) : () -> ()
    %eq3A = arith.constant 15 : i32
    %eq3A_3 = arith.cmpi eq, %arg1, %eq3A : i32
    %convert_element_type3A = arith.extui %eq3A_3 : i1 to i32
    %cond3A = arith.constant 0 : i32
    %cond3A_4 = arith.cmpi ne, %convert_element_type3A, %cond3A : i32
    scf.if %cond3A_4 {
      "tpu.region"() ({
        %run_scoped3A = tpu.sem_alloc : memref<!tpu.dma_semaphore, #tpu.memory_space<semaphore_mem>>
        %dma_start3A = arith.constant 9984 : i32
        %dma_start3A_23 = arith.constant 0 : i32
        %dma_start3A_24 = tpu.memref_slice %arg15[%dma_start3A, %dma_start3A_23] : memref<10000x128xf32, #tpu.memory_space<vmem_shared>> -> memref<16x128xf32, #tpu.memory_space<vmem_shared>>
        %dma_start3A_25 = arith.constant 624 : i32
        %dma_start3A_26 = arith.constant 0 : i32
        %dma_start3A_27 = tpu.memref_slice %arg5[%dma_start3A_25, %dma_start3A_26] : memref<640x128xf32, #tpu.memory_space<hbm>> -> memref<16x128xf32, #tpu.memory_space<hbm>>
        tpu.enqueue_dma source(%dma_start3A_27 : memref<16x128xf32, #tpu.memory_space<hbm>>) target(%dma_start3A_24 : memref<16x128xf32, #tpu.memory_space<vmem_shared>>) target_semaphore(%run_scoped3A : memref<!tpu.dma_semaphore, #tpu.memory_space<semaphore_mem>>)
        %dma_wait3A = arith.constant 9984 : i32
        %dma_wait3A_28 = arith.constant 0 : i32
        %dma_wait3A_29 = tpu.memref_slice %arg15[%dma_wait3A, %dma_wait3A_28] : memref<10000x128xf32, #tpu.memory_space<vmem_shared>> -> memref<16x128xf32, #tpu.memory_space<vmem_shared>>
        %dma_wait3A_30 = arith.constant 624 : i32
        %dma_wait3A_31 = arith.constant 0 : i32
        %dma_wait3A_32 = tpu.memref_slice %arg5[%dma_wait3A_30, %dma_wait3A_31] : memref<640x128xf32, #tpu.memory_space<hbm>> -> memref<16x128xf32, #tpu.memory_space<hbm>>
        tpu.wait_dma2 semaphore(%run_scoped3A : memref<!tpu.dma_semaphore, #tpu.memory_space<semaphore_mem>>) src(%dma_wait3A_32 : memref<16x128xf32, #tpu.memory_space<hbm>>) dst(%dma_wait3A_29 : memref<16x128xf32, #tpu.memory_space<vmem_shared>>)
        tpu.yield
      }) : () -> ()
    } else {
    }
    %mul3A_5 = arith.constant 10000 : i32
    %mul3A_6 = arith.muli %add3A, %mul3A_5 : i32
    %multiple_of3A = tpu.assume_multiple %mul3A_6, 8 : i32
    "tpu.region"() ({
      %run_scoped3A = tpu.sem_alloc : memref<!tpu.dma_semaphore, #tpu.memory_space<semaphore_mem>>
      %dma_start3A = tpu.memref_slice %arg3[%multiple_of3A] : memref<320000xi32, #tpu.memory_space<hbm>> -> memref<10000xi32, #tpu.memory_space<hbm>>
      %dma_start3A_23 = tpu.memref_slice %arg3[%multiple_of3A] : memref<320000xi32, #tpu.memory_space<hbm>> -> memref<10000xi32, #tpu.memory_space<hbm>>
      tpu.enqueue_dma source(%dma_start3A_23 : memref<10000xi32, #tpu.memory_space<hbm>>) target(%arg8 : memref<10000xi32, #tpu.memory_space<vmem>>) target_semaphore(%run_scoped3A : memref<!tpu.dma_semaphore, #tpu.memory_space<semaphore_mem>>)
      %dma_wait3A = tpu.memref_slice %arg3[%multiple_of3A] : memref<320000xi32, #tpu.memory_space<hbm>> -> memref<10000xi32, #tpu.memory_space<hbm>>
      %dma_wait3A_24 = tpu.memref_slice %arg3[%multiple_of3A] : memref<320000xi32, #tpu.memory_space<hbm>> -> memref<10000xi32, #tpu.memory_space<hbm>>
      tpu.wait_dma2 semaphore(%run_scoped3A : memref<!tpu.dma_semaphore, #tpu.memory_space<semaphore_mem>>) src(%dma_wait3A_24 : memref<10000xi32, #tpu.memory_space<hbm>>) dst(%arg8 : memref<10000xi32, #tpu.memory_space<vmem>>)
      tpu.yield
    }) : () -> ()
    %barrier3A = arith.constant 0 : index
    tpu.barrier barrier_id(%barrier3A)
    %scan3A = arith.constant 0 : i32
    %scan3A_7 = arith.constant 0 : i32
    %scan3A_8 = arith.constant 43 : i32
    %scan3A_9 = arith.addi %scan3A_7, %scan3A_8 : i32
    %scan3A_10 = arith.constant 1 : i32
    scf.for %scan3A_23 = %scan3A_7 to %scan3A_9 step %scan3A_10  : i32 {
      %mul3A_24 = arith.constant 3 : i32
      %mul3A_25 = arith.muli %mul3A_24, %scan3A_23 : i32
      %add3A_26 = arith.constant 0 : i32
      %add3A_27 = arith.addi %mul3A_25, %add3A_26 : i32
      %ge3A = arith.constant 3 : i32
      %ge3A_28 = arith.cmpi sge, %add3A_27, %ge3A : i32
      %lt3A = arith.constant 128 : i32
      %lt3A_29 = arith.cmpi slt, %add3A_27, %lt3A : i32
      %and3A = arith.andi %ge3A_28, %lt3A_29 : i1
      %convert_element_type3A_30 = arith.extui %and3A : i1 to i32
      %cond3A_31 = arith.constant 0 : i32
      %cond3A_32 = arith.cmpi ne, %convert_element_type3A_30, %cond3A_31 : i32
      scf.if %cond3A_32 {
        %dma_wait3A = arith.constant 0 : i32
        %dma_wait3A_95 = arith.constant 0 : i32
        %dma_wait3A_96 = tpu.memref_slice %arg15[%dma_wait3A, %dma_wait3A_95] : memref<10000x128xf32, #tpu.memory_space<vmem_shared>> -> memref<10000x128xf32, #tpu.memory_space<vmem_shared>>
        tpu.wait_indirect_dma semaphore(%arg22 : memref<!tpu.dma_semaphore, #tpu.memory_space<semaphore_mem>>) src(%arg12 : memref<80x128xf32, #tpu.memory_space<vmem>>) dst(%dma_wait3A_96 : memref<10000x128xf32, #tpu.memory_space<vmem_shared>>)
      } else {
      }
      %lt3A_33 = arith.constant 125 : i32
      %lt3A_34 = arith.cmpi slt, %add3A_27, %lt3A_33 : i32
      %convert_element_type3A_35 = arith.extui %lt3A_34 : i1 to i32
      %cond3A_36 = arith.constant 0 : i32
      %cond3A_37 = arith.cmpi ne, %convert_element_type3A_35, %cond3A_36 : i32
      scf.if %cond3A_37 {
        %mul3A_95 = arith.constant 80 : i32
        %mul3A_96 = arith.muli %add3A_27, %mul3A_95 : i32
        %multiple_of3A_97 = tpu.assume_multiple %mul3A_96, 8 : i32
        %dma_start3A = tpu.memref_slice %arg8[%multiple_of3A_97] : memref<10000xi32, #tpu.memory_space<vmem>> -> memref<80xi32, #tpu.memory_space<vmem>>
        %dma_start3A_98 = arith.constant 0 : i32
        %dma_start3A_99 = arith.constant 0 : i32
        %dma_start3A_100 = tpu.memref_slice %arg2[%dma_start3A_98, %dma_start3A_99] : memref<10000x128xf32, #tpu.memory_space<hbm>> -> memref<10000x128xf32, #tpu.memory_space<hbm>>
        tpu.enqueue_indirect_dma source(%dma_start3A_100 : memref<10000x128xf32, #tpu.memory_space<hbm>>) target(%arg12 : memref<80x128xf32, #tpu.memory_space<vmem>>) offsets(%dma_start3A : memref<80xi32, #tpu.memory_space<vmem>>) semaphore(%arg16 : memref<!tpu.dma_semaphore, #tpu.memory_space<semaphore_mem>>)
        %mul3A_101 = arith.constant 80 : i32
        %mul3A_102 = arith.muli %add3A_27, %mul3A_101 : i32
        %add3A_103 = arith.addi %multiple_of3A, %mul3A_102 : i32
        %multiple_of3A_104 = tpu.assume_multiple %add3A_103, 8 : i32
        %dma_start3A_105 = tpu.memref_slice %arg4[%multiple_of3A_104] : memref<320000xi32, #tpu.memory_space<hbm>> -> memref<80xi32, #tpu.memory_space<hbm>>
        %dma_start3A_106 = tpu.memref_slice %arg4[%multiple_of3A_104] : memref<320000xi32, #tpu.memory_space<hbm>> -> memref<80xi32, #tpu.memory_space<hbm>>
        tpu.enqueue_dma source(%dma_start3A_106 : memref<80xi32, #tpu.memory_space<hbm>>) target(%arg9 : memref<80xi32, #tpu.memory_space<vmem>>) target_semaphore(%arg19 : memref<!tpu.dma_semaphore, #tpu.memory_space<semaphore_mem>>)
      } else {
      }
      %ge3A_38 = arith.constant 2 : i32
      %ge3A_39 = arith.cmpi sge, %add3A_27, %ge3A_38 : i32
      %le3A = arith.constant 126 : i32
      %le3A_40 = arith.cmpi sle, %add3A_27, %le3A : i32
      %and3A_41 = arith.andi %ge3A_39, %le3A_40 : i1
      %convert_element_type3A_42 = arith.extui %and3A_41 : i1 to i32
      %cond3A_43 = arith.constant 0 : i32
      %cond3A_44 = arith.cmpi ne, %convert_element_type3A_42, %cond3A_43 : i32
      scf.if %cond3A_44 {
        %multiple_of3A_95 = arith.constant 0 : i32
        %multiple_of3A_96 = tpu.assume_multiple %multiple_of3A_95, 8 : i32
        %dma_wait3A = tpu.memref_slice %arg8[%multiple_of3A_96] : memref<10000xi32, #tpu.memory_space<vmem>> -> memref<80xi32, #tpu.memory_space<vmem>>
        %dma_wait3A_97 = arith.constant 0 : i32
        %dma_wait3A_98 = arith.constant 0 : i32
        %dma_wait3A_99 = tpu.memref_slice %arg2[%dma_wait3A_97, %dma_wait3A_98] : memref<10000x128xf32, #tpu.memory_space<hbm>> -> memref<10000x128xf32, #tpu.memory_space<hbm>>
        tpu.wait_indirect_dma semaphore(%arg17 : memref<!tpu.dma_semaphore, #tpu.memory_space<semaphore_mem>>) src(%dma_wait3A_99 : memref<10000x128xf32, #tpu.memory_space<hbm>>) dst(%arg13 : memref<80x128xf32, #tpu.memory_space<vmem>>)
        %dma_wait3A_100 = tpu.memref_slice %arg4[%multiple_of3A] : memref<320000xi32, #tpu.memory_space<hbm>> -> memref<80xi32, #tpu.memory_space<hbm>>
        %dma_wait3A_101 = tpu.memref_slice %arg4[%multiple_of3A] : memref<320000xi32, #tpu.memory_space<hbm>> -> memref<80xi32, #tpu.memory_space<hbm>>
        tpu.wait_dma2 semaphore(%arg20 : memref<!tpu.dma_semaphore, #tpu.memory_space<semaphore_mem>>) src(%dma_wait3A_101 : memref<80xi32, #tpu.memory_space<hbm>>) dst(%arg10 : memref<80xi32, #tpu.memory_space<vmem>>)
        %dma_start3A = arith.constant 0 : i32
        %dma_start3A_102 = arith.constant 0 : i32
        %dma_start3A_103 = tpu.memref_slice %arg15[%dma_start3A, %dma_start3A_102] : memref<10000x128xf32, #tpu.memory_space<vmem_shared>> -> memref<10000x128xf32, #tpu.memory_space<vmem_shared>>
        tpu.enqueue_indirect_dma source(%arg13 : memref<80x128xf32, #tpu.memory_space<vmem>>) target(%dma_start3A_103 : memref<10000x128xf32, #tpu.memory_space<vmem_shared>>) offsets(%arg10 : memref<80xi32, #tpu.memory_space<vmem>>) semaphore(%arg23 : memref<!tpu.dma_semaphore, #tpu.memory_space<semaphore_mem>>) {add = true}
      } else {
      }
      %mul3A_45 = arith.constant 3 : i32
      %mul3A_46 = arith.muli %mul3A_45, %scan3A_23 : i32
      %add3A_47 = arith.constant 1 : i32
      %add3A_48 = arith.addi %mul3A_46, %add3A_47 : i32
      %ge3A_49 = arith.constant 3 : i32
      %ge3A_50 = arith.cmpi sge, %add3A_48, %ge3A_49 : i32
      %lt3A_51 = arith.constant 128 : i32
      %lt3A_52 = arith.cmpi slt, %add3A_48, %lt3A_51 : i32
      %and3A_53 = arith.andi %ge3A_50, %lt3A_52 : i1
      %convert_element_type3A_54 = arith.extui %and3A_53 : i1 to i32
      %cond3A_55 = arith.constant 0 : i32
      %cond3A_56 = arith.cmpi ne, %convert_element_type3A_54, %cond3A_55 : i32
      scf.if %cond3A_56 {
        %dma_wait3A = arith.constant 0 : i32
        %dma_wait3A_95 = arith.constant 0 : i32
        %dma_wait3A_96 = tpu.memref_slice %arg15[%dma_wait3A, %dma_wait3A_95] : memref<10000x128xf32, #tpu.memory_space<vmem_shared>> -> memref<10000x128xf32, #tpu.memory_space<vmem_shared>>
        tpu.wait_indirect_dma semaphore(%arg23 : memref<!tpu.dma_semaphore, #tpu.memory_space<semaphore_mem>>) src(%arg13 : memref<80x128xf32, #tpu.memory_space<vmem>>) dst(%dma_wait3A_96 : memref<10000x128xf32, #tpu.memory_space<vmem_shared>>)
      } else {
      }
      %lt3A_57 = arith.constant 125 : i32
      %lt3A_58 = arith.cmpi slt, %add3A_48, %lt3A_57 : i32
      %convert_element_type3A_59 = arith.extui %lt3A_58 : i1 to i32
      %cond3A_60 = arith.constant 0 : i32
      %cond3A_61 = arith.cmpi ne, %convert_element_type3A_59, %cond3A_60 : i32
      scf.if %cond3A_61 {
        %mul3A_95 = arith.constant 80 : i32
        %mul3A_96 = arith.muli %add3A_48, %mul3A_95 : i32
        %multiple_of3A_97 = tpu.assume_multiple %mul3A_96, 8 : i32
        %dma_start3A = tpu.memref_slice %arg8[%multiple_of3A_97] : memref<10000xi32, #tpu.memory_space<vmem>> -> memref<80xi32, #tpu.memory_space<vmem>>
        %dma_start3A_98 = arith.constant 0 : i32
        %dma_start3A_99 = arith.constant 0 : i32
        %dma_start3A_100 = tpu.memref_slice %arg2[%dma_start3A_98, %dma_start3A_99] : memref<10000x128xf32, #tpu.memory_space<hbm>> -> memref<10000x128xf32, #tpu.memory_space<hbm>>
        tpu.enqueue_indirect_dma source(%dma_start3A_100 : memref<10000x128xf32, #tpu.memory_space<hbm>>) target(%arg13 : memref<80x128xf32, #tpu.memory_space<vmem>>) offsets(%dma_start3A : memref<80xi32, #tpu.memory_space<vmem>>) semaphore(%arg17 : memref<!tpu.dma_semaphore, #tpu.memory_space<semaphore_mem>>)
        %mul3A_101 = arith.constant 80 : i32
        %mul3A_102 = arith.muli %add3A_48, %mul3A_101 : i32
        %add3A_103 = arith.addi %multiple_of3A, %mul3A_102 : i32
        %multiple_of3A_104 = tpu.assume_multiple %add3A_103, 8 : i32
        %dma_start3A_105 = tpu.memref_slice %arg4[%multiple_of3A_104] : memref<320000xi32, #tpu.memory_space<hbm>> -> memref<80xi32, #tpu.memory_space<hbm>>
        %dma_start3A_106 = tpu.memref_slice %arg4[%multiple_of3A_104] : memref<320000xi32, #tpu.memory_space<hbm>> -> memref<80xi32, #tpu.memory_space<hbm>>
        tpu.enqueue_dma source(%dma_start3A_106 : memref<80xi32, #tpu.memory_space<hbm>>) target(%arg10 : memref<80xi32, #tpu.memory_space<vmem>>) target_semaphore(%arg20 : memref<!tpu.dma_semaphore, #tpu.memory_space<semaphore_mem>>)
      } else {
      }
      %ge3A_62 = arith.constant 2 : i32
      %ge3A_63 = arith.cmpi sge, %add3A_48, %ge3A_62 : i32
      %le3A_64 = arith.constant 126 : i32
      %le3A_65 = arith.cmpi sle, %add3A_48, %le3A_64 : i32
      %and3A_66 = arith.andi %ge3A_63, %le3A_65 : i1
      %convert_element_type3A_67 = arith.extui %and3A_66 : i1 to i32
      %cond3A_68 = arith.constant 0 : i32
      %cond3A_69 = arith.cmpi ne, %convert_element_type3A_67, %cond3A_68 : i32
      scf.if %cond3A_69 {
        %multiple_of3A_95 = arith.constant 0 : i32
        %multiple_of3A_96 = tpu.assume_multiple %multiple_of3A_95, 8 : i32
        %dma_wait3A = tpu.memref_slice %arg8[%multiple_of3A_96] : memref<10000xi32, #tpu.memory_space<vmem>> -> memref<80xi32, #tpu.memory_space<vmem>>
        %dma_wait3A_97 = arith.constant 0 : i32
        %dma_wait3A_98 = arith.constant 0 : i32
        %dma_wait3A_99 = tpu.memref_slice %arg2[%dma_wait3A_97, %dma_wait3A_98] : memref<10000x128xf32, #tpu.memory_space<hbm>> -> memref<10000x128xf32, #tpu.memory_space<hbm>>
        tpu.wait_indirect_dma semaphore(%arg18 : memref<!tpu.dma_semaphore, #tpu.memory_space<semaphore_mem>>) src(%dma_wait3A_99 : memref<10000x128xf32, #tpu.memory_space<hbm>>) dst(%arg14 : memref<80x128xf32, #tpu.memory_space<vmem>>)
        %dma_wait3A_100 = tpu.memref_slice %arg4[%multiple_of3A] : memref<320000xi32, #tpu.memory_space<hbm>> -> memref<80xi32, #tpu.memory_space<hbm>>
        %dma_wait3A_101 = tpu.memref_slice %arg4[%multiple_of3A] : memref<320000xi32, #tpu.memory_space<hbm>> -> memref<80xi32, #tpu.memory_space<hbm>>
        tpu.wait_dma2 semaphore(%arg21 : memref<!tpu.dma_semaphore, #tpu.memory_space<semaphore_mem>>) src(%dma_wait3A_101 : memref<80xi32, #tpu.memory_space<hbm>>) dst(%arg11 : memref<80xi32, #tpu.memory_space<vmem>>)
        %dma_start3A = arith.constant 0 : i32
        %dma_start3A_102 = arith.constant 0 : i32
        %dma_start3A_103 = tpu.memref_slice %arg15[%dma_start3A, %dma_start3A_102] : memref<10000x128xf32, #tpu.memory_space<vmem_shared>> -> memref<10000x128xf32, #tpu.memory_space<vmem_shared>>
        tpu.enqueue_indirect_dma source(%arg14 : memref<80x128xf32, #tpu.memory_space<vmem>>) target(%dma_start3A_103 : memref<10000x128xf32, #tpu.memory_space<vmem_shared>>) offsets(%arg11 : memref<80xi32, #tpu.memory_space<vmem>>) semaphore(%arg24 : memref<!tpu.dma_semaphore, #tpu.memory_space<semaphore_mem>>) {add = true}
      } else {
      }
      %mul3A_70 = arith.constant 3 : i32
      %mul3A_71 = arith.muli %mul3A_70, %scan3A_23 : i32
      %add3A_72 = arith.constant 2 : i32
      %add3A_73 = arith.addi %mul3A_71, %add3A_72 : i32
      %ge3A_74 = arith.constant 3 : i32
      %ge3A_75 = arith.cmpi sge, %add3A_73, %ge3A_74 : i32
      %lt3A_76 = arith.constant 128 : i32
      %lt3A_77 = arith.cmpi slt, %add3A_73, %lt3A_76 : i32
      %and3A_78 = arith.andi %ge3A_75, %lt3A_77 : i1
      %convert_element_type3A_79 = arith.extui %and3A_78 : i1 to i32
      %cond3A_80 = arith.constant 0 : i32
      %cond3A_81 = arith.cmpi ne, %convert_element_type3A_79, %cond3A_80 : i32
      scf.if %cond3A_81 {
        %dma_wait3A = arith.constant 0 : i32
        %dma_wait3A_95 = arith.constant 0 : i32
        %dma_wait3A_96 = tpu.memref_slice %arg15[%dma_wait3A, %dma_wait3A_95] : memref<10000x128xf32, #tpu.memory_space<vmem_shared>> -> memref<10000x128xf32, #tpu.memory_space<vmem_shared>>
        tpu.wait_indirect_dma semaphore(%arg24 : memref<!tpu.dma_semaphore, #tpu.memory_space<semaphore_mem>>) src(%arg14 : memref<80x128xf32, #tpu.memory_space<vmem>>) dst(%dma_wait3A_96 : memref<10000x128xf32, #tpu.memory_space<vmem_shared>>)
      } else {
      }
      %lt3A_82 = arith.constant 125 : i32
      %lt3A_83 = arith.cmpi slt, %add3A_73, %lt3A_82 : i32
      %convert_element_type3A_84 = arith.extui %lt3A_83 : i1 to i32
      %cond3A_85 = arith.constant 0 : i32
      %cond3A_86 = arith.cmpi ne, %convert_element_type3A_84, %cond3A_85 : i32
      scf.if %cond3A_86 {
        %mul3A_95 = arith.constant 80 : i32
        %mul3A_96 = arith.muli %add3A_73, %mul3A_95 : i32
        %multiple_of3A_97 = tpu.assume_multiple %mul3A_96, 8 : i32
        %dma_start3A = tpu.memref_slice %arg8[%multiple_of3A_97] : memref<10000xi32, #tpu.memory_space<vmem>> -> memref<80xi32, #tpu.memory_space<vmem>>
        %dma_start3A_98 = arith.constant 0 : i32
        %dma_start3A_99 = arith.constant 0 : i32
        %dma_start3A_100 = tpu.memref_slice %arg2[%dma_start3A_98, %dma_start3A_99] : memref<10000x128xf32, #tpu.memory_space<hbm>> -> memref<10000x128xf32, #tpu.memory_space<hbm>>
        tpu.enqueue_indirect_dma source(%dma_start3A_100 : memref<10000x128xf32, #tpu.memory_space<hbm>>) target(%arg14 : memref<80x128xf32, #tpu.memory_space<vmem>>) offsets(%dma_start3A : memref<80xi32, #tpu.memory_space<vmem>>) semaphore(%arg18 : memref<!tpu.dma_semaphore, #tpu.memory_space<semaphore_mem>>)
        %mul3A_101 = arith.constant 80 : i32
        %mul3A_102 = arith.muli %add3A_73, %mul3A_101 : i32
        %add3A_103 = arith.addi %multiple_of3A, %mul3A_102 : i32
        %multiple_of3A_104 = tpu.assume_multiple %add3A_103, 8 : i32
        %dma_start3A_105 = tpu.memref_slice %arg4[%multiple_of3A_104] : memref<320000xi32, #tpu.memory_space<hbm>> -> memref<80xi32, #tpu.memory_space<hbm>>
        %dma_start3A_106 = tpu.memref_slice %arg4[%multiple_of3A_104] : memref<320000xi32, #tpu.memory_space<hbm>> -> memref<80xi32, #tpu.memory_space<hbm>>
        tpu.enqueue_dma source(%dma_start3A_106 : memref<80xi32, #tpu.memory_space<hbm>>) target(%arg11 : memref<80xi32, #tpu.memory_space<vmem>>) target_semaphore(%arg21 : memref<!tpu.dma_semaphore, #tpu.memory_space<semaphore_mem>>)
      } else {
      }
      %ge3A_87 = arith.constant 2 : i32
      %ge3A_88 = arith.cmpi sge, %add3A_73, %ge3A_87 : i32
      %le3A_89 = arith.constant 126 : i32
      %le3A_90 = arith.cmpi sle, %add3A_73, %le3A_89 : i32
      %and3A_91 = arith.andi %ge3A_88, %le3A_90 : i1
      %convert_element_type3A_92 = arith.extui %and3A_91 : i1 to i32
      %cond3A_93 = arith.constant 0 : i32
      %cond3A_94 = arith.cmpi ne, %convert_element_type3A_92, %cond3A_93 : i32
      scf.if %cond3A_94 {
        %multiple_of3A_95 = arith.constant 0 : i32
        %multiple_of3A_96 = tpu.assume_multiple %multiple_of3A_95, 8 : i32
        %dma_wait3A = tpu.memref_slice %arg8[%multiple_of3A_96] : memref<10000xi32, #tpu.memory_space<vmem>> -> memref<80xi32, #tpu.memory_space<vmem>>
        %dma_wait3A_97 = arith.constant 0 : i32
        %dma_wait3A_98 = arith.constant 0 : i32
        %dma_wait3A_99 = tpu.memref_slice %arg2[%dma_wait3A_97, %dma_wait3A_98] : memref<10000x128xf32, #tpu.memory_space<hbm>> -> memref<10000x128xf32, #tpu.memory_space<hbm>>
        tpu.wait_indirect_dma semaphore(%arg16 : memref<!tpu.dma_semaphore, #tpu.memory_space<semaphore_mem>>) src(%dma_wait3A_99 : memref<10000x128xf32, #tpu.memory_space<hbm>>) dst(%arg12 : memref<80x128xf32, #tpu.memory_space<vmem>>)
        %dma_wait3A_100 = tpu.memref_slice %arg4[%multiple_of3A] : memref<320000xi32, #tpu.memory_space<hbm>> -> memref<80xi32, #tpu.memory_space<hbm>>
        %dma_wait3A_101 = tpu.memref_slice %arg4[%multiple_of3A] : memref<320000xi32, #tpu.memory_space<hbm>> -> memref<80xi32, #tpu.memory_space<hbm>>
        tpu.wait_dma2 semaphore(%arg19 : memref<!tpu.dma_semaphore, #tpu.memory_space<semaphore_mem>>) src(%dma_wait3A_101 : memref<80xi32, #tpu.memory_space<hbm>>) dst(%arg9 : memref<80xi32, #tpu.memory_space<vmem>>)
        %dma_start3A = arith.constant 0 : i32
        %dma_start3A_102 = arith.constant 0 : i32
        %dma_start3A_103 = tpu.memref_slice %arg15[%dma_start3A, %dma_start3A_102] : memref<10000x128xf32, #tpu.memory_space<vmem_shared>> -> memref<10000x128xf32, #tpu.memory_space<vmem_shared>>
        tpu.enqueue_indirect_dma source(%arg12 : memref<80x128xf32, #tpu.memory_space<vmem>>) target(%dma_start3A_103 : memref<10000x128xf32, #tpu.memory_space<vmem_shared>>) offsets(%arg9 : memref<80xi32, #tpu.memory_space<vmem>>) semaphore(%arg22 : memref<!tpu.dma_semaphore, #tpu.memory_space<semaphore_mem>>) {add = true}
      } else {
      }
    }
    %scan3A_11 = arith.constant 43 : i32
    %barrier3A_12 = arith.constant 0 : index
    tpu.barrier barrier_id(%barrier3A_12)
    %eq3A_13 = arith.constant 0 : i32
    %eq3A_14 = arith.cmpi eq, %arg0, %eq3A_13 : i32
    %convert_element_type3A_15 = arith.extui %eq3A_14 : i1 to i32
    %cond3A_16 = arith.constant 0 : i32
    %cond3A_17 = arith.cmpi ne, %convert_element_type3A_15, %cond3A_16 : i32
    scf.if %cond3A_17 {
      "tpu.region"() ({
        %run_scoped3A = tpu.sem_alloc : memref<!tpu.dma_semaphore, #tpu.memory_space<semaphore_mem>>
        %dma_start3A = arith.constant 0 : i32
        %dma_start3A_28 = tpu.memref_slice %arg6[%mul3A_2, %dma_start3A] : memref<10000x128xf32, #tpu.memory_space<hbm>> -> memref<624x128xf32, #tpu.memory_space<hbm>>
        %dma_start3A_29 = arith.constant 0 : i32
        %dma_start3A_30 = tpu.memref_slice %arg15[%mul3A_2, %dma_start3A_29] : memref<10000x128xf32, #tpu.memory_space<vmem_shared>> -> memref<624x128xf32, #tpu.memory_space<vmem_shared>>
        tpu.enqueue_dma source(%dma_start3A_30 : memref<624x128xf32, #tpu.memory_space<vmem_shared>>) target(%dma_start3A_28 : memref<624x128xf32, #tpu.memory_space<hbm>>) target_semaphore(%run_scoped3A : memref<!tpu.dma_semaphore, #tpu.memory_space<semaphore_mem>>)
        %dma_wait3A = arith.constant 0 : i32
        %dma_wait3A_31 = tpu.memref_slice %arg6[%mul3A_2, %dma_wait3A] : memref<10000x128xf32, #tpu.memory_space<hbm>> -> memref<624x128xf32, #tpu.memory_space<hbm>>
        %dma_wait3A_32 = arith.constant 0 : i32
        %dma_wait3A_33 = tpu.memref_slice %arg15[%mul3A_2, %dma_wait3A_32] : memref<10000x128xf32, #tpu.memory_space<vmem_shared>> -> memref<624x128xf32, #tpu.memory_space<vmem_shared>>
        tpu.wait_dma2 semaphore(%run_scoped3A : memref<!tpu.dma_semaphore, #tpu.memory_space<semaphore_mem>>) src(%dma_wait3A_33 : memref<624x128xf32, #tpu.memory_space<vmem_shared>>) dst(%dma_wait3A_31 : memref<624x128xf32, #tpu.memory_space<hbm>>)
        tpu.yield
      }) : () -> ()
      %eq3A_23 = arith.constant 15 : i32
      %eq3A_24 = arith.cmpi eq, %arg1, %eq3A_23 : i32
      %convert_element_type3A_25 = arith.extui %eq3A_24 : i1 to i32
      %cond3A_26 = arith.constant 0 : i32
      %cond3A_27 = arith.cmpi ne, %convert_element_type3A_25, %cond3A_26 : i32
      scf.if %cond3A_27 {
        "tpu.region"() ({
          %run_scoped3A = tpu.sem_alloc : memref<!tpu.dma_semaphore, #tpu.memory_space<semaphore_mem>>
          %dma_start3A = arith.constant 9984 : i32
          %dma_start3A_28 = arith.constant 0 : i32
          %dma_start3A_29 = tpu.memref_slice %arg6[%dma_start3A, %dma_start3A_28] : memref<10000x128xf32, #tpu.memory_space<hbm>> -> memref<16x128xf32, #tpu.memory_space<hbm>>
          %dma_start3A_30 = arith.constant 9984 : i32
          %dma_start3A_31 = arith.constant 0 : i32
          %dma_start3A_32 = tpu.memref_slice %arg15[%dma_start3A_30, %dma_start3A_31] : memref<10000x128xf32, #tpu.memory_space<vmem_shared>> -> memref<16x128xf32, #tpu.memory_space<vmem_shared>>
          tpu.enqueue_dma source(%dma_start3A_32 : memref<16x128xf32, #tpu.memory_space<vmem_shared>>) target(%dma_start3A_29 : memref<16x128xf32, #tpu.memory_space<hbm>>) target_semaphore(%run_scoped3A : memref<!tpu.dma_semaphore, #tpu.memory_space<semaphore_mem>>)
          %dma_wait3A = arith.constant 9984 : i32
          %dma_wait3A_33 = arith.constant 0 : i32
          %dma_wait3A_34 = tpu.memref_slice %arg6[%dma_wait3A, %dma_wait3A_33] : memref<10000x128xf32, #tpu.memory_space<hbm>> -> memref<16x128xf32, #tpu.memory_space<hbm>>
          %dma_wait3A_35 = arith.constant 9984 : i32
          %dma_wait3A_36 = arith.constant 0 : i32
          %dma_wait3A_37 = tpu.memref_slice %arg15[%dma_wait3A_35, %dma_wait3A_36] : memref<10000x128xf32, #tpu.memory_space<vmem_shared>> -> memref<16x128xf32, #tpu.memory_space<vmem_shared>>
          tpu.wait_dma2 semaphore(%run_scoped3A : memref<!tpu.dma_semaphore, #tpu.memory_space<semaphore_mem>>) src(%dma_wait3A_37 : memref<16x128xf32, #tpu.memory_space<vmem_shared>>) dst(%dma_wait3A_34 : memref<16x128xf32, #tpu.memory_space<hbm>>)
          tpu.yield
        }) : () -> ()
      } else {
      }
    } else {
    }
    %eq3A_18 = arith.constant 1 : i32
    %eq3A_19 = arith.cmpi eq, %arg0, %eq3A_18 : i32
    %convert_element_type3A_20 = arith.extui %eq3A_19 : i1 to i32
    %cond3A_21 = arith.constant 0 : i32
    %cond3A_22 = arith.cmpi ne, %convert_element_type3A_20, %cond3A_21 : i32
    scf.if %cond3A_22 {
      "tpu.region"() ({
        %run_scoped3A = tpu.sem_alloc : memref<!tpu.dma_semaphore, #tpu.memory_space<semaphore_mem>>
        %dma_start3A = arith.constant 0 : i32
        %dma_start3A_28 = tpu.memref_slice %arg7[%mul3A_2, %dma_start3A] : memref<10000x128xf32, #tpu.memory_space<hbm>> -> memref<624x128xf32, #tpu.memory_space<hbm>>
        %dma_start3A_29 = arith.constant 0 : i32
        %dma_start3A_30 = tpu.memref_slice %arg15[%mul3A_2, %dma_start3A_29] : memref<10000x128xf32, #tpu.memory_space<vmem_shared>> -> memref<624x128xf32, #tpu.memory_space<vmem_shared>>
        tpu.enqueue_dma source(%dma_start3A_30 : memref<624x128xf32, #tpu.memory_space<vmem_shared>>) target(%dma_start3A_28 : memref<624x128xf32, #tpu.memory_space<hbm>>) target_semaphore(%run_scoped3A : memref<!tpu.dma_semaphore, #tpu.memory_space<semaphore_mem>>)
        %dma_wait3A = arith.constant 0 : i32
        %dma_wait3A_31 = tpu.memref_slice %arg7[%mul3A_2, %dma_wait3A] : memref<10000x128xf32, #tpu.memory_space<hbm>> -> memref<624x128xf32, #tpu.memory_space<hbm>>
        %dma_wait3A_32 = arith.constant 0 : i32
        %dma_wait3A_33 = tpu.memref_slice %arg15[%mul3A_2, %dma_wait3A_32] : memref<10000x128xf32, #tpu.memory_space<vmem_shared>> -> memref<624x128xf32, #tpu.memory_space<vmem_shared>>
        tpu.wait_dma2 semaphore(%run_scoped3A : memref<!tpu.dma_semaphore, #tpu.memory_space<semaphore_mem>>) src(%dma_wait3A_33 : memref<624x128xf32, #tpu.memory_space<vmem_shared>>) dst(%dma_wait3A_31 : memref<624x128xf32, #tpu.memory_space<hbm>>)
        tpu.yield
      }) : () -> ()
      %eq3A_23 = arith.constant 15 : i32
      %eq3A_24 = arith.cmpi eq, %arg1, %eq3A_23 : i32
      %convert_element_type3A_25 = arith.extui %eq3A_24 : i1 to i32
      %cond3A_26 = arith.constant 0 : i32
      %cond3A_27 = arith.cmpi ne, %convert_element_type3A_25, %cond3A_26 : i32
      scf.if %cond3A_27 {
        "tpu.region"() ({
          %run_scoped3A = tpu.sem_alloc : memref<!tpu.dma_semaphore, #tpu.memory_space<semaphore_mem>>
          %dma_start3A = arith.constant 9984 : i32
          %dma_start3A_28 = arith.constant 0 : i32
          %dma_start3A_29 = tpu.memref_slice %arg7[%dma_start3A, %dma_start3A_28] : memref<10000x128xf32, #tpu.memory_space<hbm>> -> memref<16x128xf32, #tpu.memory_space<hbm>>
          %dma_start3A_30 = arith.constant 9984 : i32
          %dma_start3A_31 = arith.constant 0 : i32
          %dma_start3A_32 = tpu.memref_slice %arg15[%dma_start3A_30, %dma_start3A_31] : memref<10000x128xf32, #tpu.memory_space<vmem_shared>> -> memref<16x128xf32, #tpu.memory_space<vmem_shared>>
          tpu.enqueue_dma source(%dma_start3A_32 : memref<16x128xf32, #tpu.memory_space<vmem_shared>>) target(%dma_start3A_29 : memref<16x128xf32, #tpu.memory_space<hbm>>) target_semaphore(%run_scoped3A : memref<!tpu.dma_semaphore, #tpu.memory_space<semaphore_mem>>)
          %dma_wait3A = arith.constant 9984 : i32
          %dma_wait3A_33 = arith.constant 0 : i32
          %dma_wait3A_34 = tpu.memref_slice %arg7[%dma_wait3A, %dma_wait3A_33] : memref<10000x128xf32, #tpu.memory_space<hbm>> -> memref<16x128xf32, #tpu.memory_space<hbm>>
          %dma_wait3A_35 = arith.constant 9984 : i32
          %dma_wait3A_36 = arith.constant 0 : i32
          %dma_wait3A_37 = tpu.memref_slice %arg15[%dma_wait3A_35, %dma_wait3A_36] : memref<10000x128xf32, #tpu.memory_space<vmem_shared>> -> memref<16x128xf32, #tpu.memory_space<vmem_shared>>
          tpu.wait_dma2 semaphore(%run_scoped3A : memref<!tpu.dma_semaphore, #tpu.memory_space<semaphore_mem>>) src(%dma_wait3A_37 : memref<16x128xf32, #tpu.memory_space<vmem_shared>>) dst(%dma_wait3A_34 : memref<16x128xf32, #tpu.memory_space<hbm>>)
          tpu.yield
        }) : () -> ()
      } else {
      }
    } else {
    }
    return
  }
}

#map = affine_map<(d0, d1) -> (0)>
#map1 = affine_map<(d0, d1) -> (0, 0)>
module attributes {stable_mosaic.version = 14 : i64} {
  func.func @deg_kernel(%arg0: i32, %arg1: i32, %arg2: memref<320000xi32, #tpu.memory_space<hbm>>, %arg3: memref<80x128xf32, #tpu.memory_space<hbm>>, %arg4: memref<640x128xf32, #tpu.memory_space<hbm>>, %arg5: memref<10000x128xf32, #tpu.memory_space<hbm>>, %arg6: memref<10000x128xf32, #tpu.memory_space<hbm>>, %arg7: memref<80xi32, #tpu.memory_space<vmem>>, %arg8: memref<80xi32, #tpu.memory_space<vmem>>, %arg9: memref<80x128xf32, #tpu.memory_space<vmem>>, %arg10: memref<10000x128xf32, #tpu.memory_space<vmem_shared>>, %arg11: memref<!tpu.dma_semaphore, #tpu.memory_space<semaphore_mem>>, %arg12: memref<!tpu.dma_semaphore, #tpu.memory_space<semaphore_mem>>, %arg13: memref<!tpu.dma_semaphore, #tpu.memory_space<semaphore_mem>>, %arg14: memref<!tpu.dma_semaphore, #tpu.memory_space<semaphore_mem>>) attributes {dimension_semantics = [#tpu.dimension_semantics<core_parallel>, #tpu.dimension_semantics<subcore_parallel>], iteration_bounds = array<i64: 2, 16>, scalar_prefetch = 0 : i64, scratch_operands = 8 : i64, tpu.core_type = #tpu.core_type<sc_vector_subcore>, window_params = [{transform_indices = #map}, {transform_indices = #map1}, {transform_indices = #map1}, {transform_indices = #map1}, {transform_indices = #map1}]} {
    %mul3A = arith.constant 16 : i32
    %mul3A_0 = arith.muli %arg0, %mul3A : i32
    %add3A = arith.addi %mul3A_0, %arg1 : i32
    %mul3A_1 = arith.constant 624 : i32
    %mul3A_2 = arith.muli %arg1, %mul3A_1 : i32
    "tpu.region"() ({
      %run_scoped3A = tpu.sem_alloc : memref<!tpu.dma_semaphore, #tpu.memory_space<semaphore_mem>>
      %dma_start3A = arith.constant 0 : i32
      %dma_start3A_25 = tpu.memref_slice %arg10[%mul3A_2, %dma_start3A] : memref<10000x128xf32, #tpu.memory_space<vmem_shared>> -> memref<624x128xf32, #tpu.memory_space<vmem_shared>>
      %dma_start3A_26 = arith.constant 0 : i32
      %dma_start3A_27 = arith.constant 0 : i32
      %dma_start3A_28 = tpu.memref_slice %arg4[%dma_start3A_26, %dma_start3A_27] : memref<640x128xf32, #tpu.memory_space<hbm>> -> memref<624x128xf32, #tpu.memory_space<hbm>>
      tpu.enqueue_dma source(%dma_start3A_28 : memref<624x128xf32, #tpu.memory_space<hbm>>) target(%dma_start3A_25 : memref<624x128xf32, #tpu.memory_space<vmem_shared>>) target_semaphore(%run_scoped3A : memref<!tpu.dma_semaphore, #tpu.memory_space<semaphore_mem>>)
      %dma_wait3A_29 = arith.constant 0 : i32
      %dma_wait3A_30 = tpu.memref_slice %arg10[%mul3A_2, %dma_wait3A_29] : memref<10000x128xf32, #tpu.memory_space<vmem_shared>> -> memref<624x128xf32, #tpu.memory_space<vmem_shared>>
      %dma_wait3A_31 = arith.constant 0 : i32
      %dma_wait3A_32 = arith.constant 0 : i32
      %dma_wait3A_33 = tpu.memref_slice %arg4[%dma_wait3A_31, %dma_wait3A_32] : memref<640x128xf32, #tpu.memory_space<hbm>> -> memref<624x128xf32, #tpu.memory_space<hbm>>
      tpu.wait_dma2 semaphore(%run_scoped3A : memref<!tpu.dma_semaphore, #tpu.memory_space<semaphore_mem>>) src(%dma_wait3A_33 : memref<624x128xf32, #tpu.memory_space<hbm>>) dst(%dma_wait3A_30 : memref<624x128xf32, #tpu.memory_space<vmem_shared>>)
      tpu.yield
    }) : () -> ()
    %eq3A = arith.constant 15 : i32
    %eq3A_3 = arith.cmpi eq, %arg1, %eq3A : i32
    %convert_element_type3A = arith.extui %eq3A_3 : i1 to i32
    %cond3A = arith.constant 0 : i32
    %cond3A_4 = arith.cmpi ne, %convert_element_type3A, %cond3A : i32
    scf.if %cond3A_4 {
      "tpu.region"() ({
        %run_scoped3A = tpu.sem_alloc : memref<!tpu.dma_semaphore, #tpu.memory_space<semaphore_mem>>
        %dma_start3A = arith.constant 9984 : i32
        %dma_start3A_25 = arith.constant 0 : i32
        %dma_start3A_26 = tpu.memref_slice %arg10[%dma_start3A, %dma_start3A_25] : memref<10000x128xf32, #tpu.memory_space<vmem_shared>> -> memref<16x128xf32, #tpu.memory_space<vmem_shared>>
        %dma_start3A_27 = arith.constant 624 : i32
        %dma_start3A_28 = arith.constant 0 : i32
        %dma_start3A_29 = tpu.memref_slice %arg4[%dma_start3A_27, %dma_start3A_28] : memref<640x128xf32, #tpu.memory_space<hbm>> -> memref<16x128xf32, #tpu.memory_space<hbm>>
        tpu.enqueue_dma source(%dma_start3A_29 : memref<16x128xf32, #tpu.memory_space<hbm>>) target(%dma_start3A_26 : memref<16x128xf32, #tpu.memory_space<vmem_shared>>) target_semaphore(%run_scoped3A : memref<!tpu.dma_semaphore, #tpu.memory_space<semaphore_mem>>)
        %dma_wait3A_30 = arith.constant 9984 : i32
        %dma_wait3A_31 = arith.constant 0 : i32
        %dma_wait3A_32 = tpu.memref_slice %arg10[%dma_wait3A_30, %dma_wait3A_31] : memref<10000x128xf32, #tpu.memory_space<vmem_shared>> -> memref<16x128xf32, #tpu.memory_space<vmem_shared>>
        %dma_wait3A_33 = arith.constant 624 : i32
        %dma_wait3A_34 = arith.constant 0 : i32
        %dma_wait3A_35 = tpu.memref_slice %arg4[%dma_wait3A_33, %dma_wait3A_34] : memref<640x128xf32, #tpu.memory_space<hbm>> -> memref<16x128xf32, #tpu.memory_space<hbm>>
        tpu.wait_dma2 semaphore(%run_scoped3A : memref<!tpu.dma_semaphore, #tpu.memory_space<semaphore_mem>>) src(%dma_wait3A_35 : memref<16x128xf32, #tpu.memory_space<hbm>>) dst(%dma_wait3A_32 : memref<16x128xf32, #tpu.memory_space<vmem_shared>>)
        tpu.yield
      }) : () -> ()
    } else {
    }
    "tpu.region"() ({
      %run_scoped3A = tpu.sem_alloc : memref<!tpu.dma_semaphore, #tpu.memory_space<semaphore_mem>>
      tpu.enqueue_dma source(%arg3 : memref<80x128xf32, #tpu.memory_space<hbm>>) target(%arg9 : memref<80x128xf32, #tpu.memory_space<vmem>>) target_semaphore(%run_scoped3A : memref<!tpu.dma_semaphore, #tpu.memory_space<semaphore_mem>>)
      tpu.wait_dma2 semaphore(%run_scoped3A : memref<!tpu.dma_semaphore, #tpu.memory_space<semaphore_mem>>) src(%arg3 : memref<80x128xf32, #tpu.memory_space<hbm>>) dst(%arg9 : memref<80x128xf32, #tpu.memory_space<vmem>>)
      tpu.yield
    }) : () -> ()
    %mul3A_5 = arith.constant 10000 : i32
    %mul3A_6 = arith.muli %add3A, %mul3A_5 : i32
    %multiple_of3A = tpu.assume_multiple %mul3A_6, 8 : i32
    %barrier3A = arith.constant 0 : index
    tpu.barrier barrier_id(%barrier3A)
    %scan3A = arith.constant 0 : i32
    %scan3A_7 = arith.constant 0 : i32
    %scan3A_8 = arith.constant 63 : i32
    %scan3A_9 = arith.addi %scan3A_7, %scan3A_8 : i32
    %scan3A_10 = arith.constant 1 : i32
    scf.for %scan3A_25 = %scan3A_7 to %scan3A_9 step %scan3A_10  : i32 {
      %mul3A_26 = arith.constant 2 : i32
      %mul3A_27 = arith.muli %mul3A_26, %scan3A_25 : i32
      %ge3A = arith.constant 2 : i32
      %ge3A_28 = arith.cmpi sge, %mul3A_27, %ge3A : i32
      %convert_element_type3A_29 = arith.extui %ge3A_28 : i1 to i32
      %cond3A_30 = arith.constant 0 : i32
      %cond3A_31 = arith.cmpi ne, %convert_element_type3A_29, %cond3A_30 : i32
      scf.if %cond3A_31 {
        %dma_wait3A_64 = arith.constant 0 : i32
        %dma_wait3A_65 = arith.constant 0 : i32
        %dma_wait3A_66 = tpu.memref_slice %arg10[%dma_wait3A_64, %dma_wait3A_65] : memref<10000x128xf32, #tpu.memory_space<vmem_shared>> -> memref<10000x128xf32, #tpu.memory_space<vmem_shared>>
        tpu.wait_indirect_dma semaphore(%arg13 : memref<!tpu.dma_semaphore, #tpu.memory_space<semaphore_mem>>) src(%arg9 : memref<80x128xf32, #tpu.memory_space<vmem>>) dst(%dma_wait3A_66 : memref<10000x128xf32, #tpu.memory_space<vmem_shared>>)
      } else {
      }
      %lt3A = arith.constant 125 : i32
      %lt3A_32 = arith.cmpi slt, %mul3A_27, %lt3A : i32
      %convert_element_type3A_33 = arith.extui %lt3A_32 : i1 to i32
      %cond3A_34 = arith.constant 0 : i32
      %cond3A_35 = arith.cmpi ne, %convert_element_type3A_33, %cond3A_34 : i32
      scf.if %cond3A_35 {
        %mul3A_64 = arith.constant 80 : i32
        %mul3A_65 = arith.muli %mul3A_27, %mul3A_64 : i32
        %add3A_66 = arith.addi %multiple_of3A, %mul3A_65 : i32
        %multiple_of3A_67 = tpu.assume_multiple %add3A_66, 8 : i32
        %dma_start3A = tpu.memref_slice %arg2[%multiple_of3A_67] : memref<320000xi32, #tpu.memory_space<hbm>> -> memref<80xi32, #tpu.memory_space<hbm>>
        %dma_start3A_68 = tpu.memref_slice %arg2[%multiple_of3A_67] : memref<320000xi32, #tpu.memory_space<hbm>> -> memref<80xi32, #tpu.memory_space<hbm>>
        tpu.enqueue_dma source(%dma_start3A_68 : memref<80xi32, #tpu.memory_space<hbm>>) target(%arg7 : memref<80xi32, #tpu.memory_space<vmem>>) target_semaphore(%arg11 : memref<!tpu.dma_semaphore, #tpu.memory_space<semaphore_mem>>)
      } else {
      }
      %ge3A_36 = arith.constant 1 : i32
      %ge3A_37 = arith.cmpi sge, %mul3A_27, %ge3A_36 : i32
      %le3A = arith.constant 125 : i32
      %le3A_38 = arith.cmpi sle, %mul3A_27, %le3A : i32
      %and3A = arith.andi %ge3A_37, %le3A_38 : i1
      %convert_element_type3A_39 = arith.extui %and3A : i1 to i32
      %cond3A_40 = arith.constant 0 : i32
      %cond3A_41 = arith.cmpi ne, %convert_element_type3A_39, %cond3A_40 : i32
      scf.if %cond3A_41 {
        %dma_wait3A_64 = tpu.memref_slice %arg2[%multiple_of3A] : memref<320000xi32, #tpu.memory_space<hbm>> -> memref<80xi32, #tpu.memory_space<hbm>>
        %dma_wait3A_65 = tpu.memref_slice %arg2[%multiple_of3A] : memref<320000xi32, #tpu.memory_space<hbm>> -> memref<80xi32, #tpu.memory_space<hbm>>
        tpu.wait_dma2 semaphore(%arg12 : memref<!tpu.dma_semaphore, #tpu.memory_space<semaphore_mem>>) src(%dma_wait3A_65 : memref<80xi32, #tpu.memory_space<hbm>>) dst(%arg8 : memref<80xi32, #tpu.memory_space<vmem>>)
        %dma_start3A = arith.constant 0 : i32
        %dma_start3A_66 = arith.constant 0 : i32
        %dma_start3A_67 = tpu.memref_slice %arg10[%dma_start3A, %dma_start3A_66] : memref<10000x128xf32, #tpu.memory_space<vmem_shared>> -> memref<10000x128xf32, #tpu.memory_space<vmem_shared>>
        tpu.enqueue_indirect_dma source(%arg9 : memref<80x128xf32, #tpu.memory_space<vmem>>) target(%dma_start3A_67 : memref<10000x128xf32, #tpu.memory_space<vmem_shared>>) offsets(%arg8 : memref<80xi32, #tpu.memory_space<vmem>>) semaphore(%arg14 : memref<!tpu.dma_semaphore, #tpu.memory_space<semaphore_mem>>) {add = true}
      } else {
      }
      %mul3A_42 = arith.constant 2 : i32
      %mul3A_43 = arith.muli %mul3A_42, %scan3A_25 : i32
      %add3A_44 = arith.constant 1 : i32
      %add3A_45 = arith.addi %mul3A_43, %add3A_44 : i32
      %ge3A_46 = arith.constant 2 : i32
      %ge3A_47 = arith.cmpi sge, %add3A_45, %ge3A_46 : i32
      %convert_element_type3A_48 = arith.extui %ge3A_47 : i1 to i32
      %cond3A_49 = arith.constant 0 : i32
      %cond3A_50 = arith.cmpi ne, %convert_element_type3A_48, %cond3A_49 : i32
      scf.if %cond3A_50 {
        %dma_wait3A_64 = arith.constant 0 : i32
        %dma_wait3A_65 = arith.constant 0 : i32
        %dma_wait3A_66 = tpu.memref_slice %arg10[%dma_wait3A_64, %dma_wait3A_65] : memref<10000x128xf32, #tpu.memory_space<vmem_shared>> -> memref<10000x128xf32, #tpu.memory_space<vmem_shared>>
        tpu.wait_indirect_dma semaphore(%arg14 : memref<!tpu.dma_semaphore, #tpu.memory_space<semaphore_mem>>) src(%arg9 : memref<80x128xf32, #tpu.memory_space<vmem>>) dst(%dma_wait3A_66 : memref<10000x128xf32, #tpu.memory_space<vmem_shared>>)
      } else {
      }
      %lt3A_51 = arith.constant 125 : i32
      %lt3A_52 = arith.cmpi slt, %add3A_45, %lt3A_51 : i32
      %convert_element_type3A_53 = arith.extui %lt3A_52 : i1 to i32
      %cond3A_54 = arith.constant 0 : i32
      %cond3A_55 = arith.cmpi ne, %convert_element_type3A_53, %cond3A_54 : i32
      scf.if %cond3A_55 {
        %mul3A_64 = arith.constant 80 : i32
        %mul3A_65 = arith.muli %add3A_45, %mul3A_64 : i32
        %add3A_66 = arith.addi %multiple_of3A, %mul3A_65 : i32
        %multiple_of3A_67 = tpu.assume_multiple %add3A_66, 8 : i32
        %dma_start3A = tpu.memref_slice %arg2[%multiple_of3A_67] : memref<320000xi32, #tpu.memory_space<hbm>> -> memref<80xi32, #tpu.memory_space<hbm>>
        %dma_start3A_68 = tpu.memref_slice %arg2[%multiple_of3A_67] : memref<320000xi32, #tpu.memory_space<hbm>> -> memref<80xi32, #tpu.memory_space<hbm>>
        tpu.enqueue_dma source(%dma_start3A_68 : memref<80xi32, #tpu.memory_space<hbm>>) target(%arg8 : memref<80xi32, #tpu.memory_space<vmem>>) target_semaphore(%arg12 : memref<!tpu.dma_semaphore, #tpu.memory_space<semaphore_mem>>)
      } else {
      }
      %ge3A_56 = arith.constant 1 : i32
      %ge3A_57 = arith.cmpi sge, %add3A_45, %ge3A_56 : i32
      %le3A_58 = arith.constant 125 : i32
      %le3A_59 = arith.cmpi sle, %add3A_45, %le3A_58 : i32
      %and3A_60 = arith.andi %ge3A_57, %le3A_59 : i1
      %convert_element_type3A_61 = arith.extui %and3A_60 : i1 to i32
      %cond3A_62 = arith.constant 0 : i32
      %cond3A_63 = arith.cmpi ne, %convert_element_type3A_61, %cond3A_62 : i32
      scf.if %cond3A_63 {
        %dma_wait3A_64 = tpu.memref_slice %arg2[%multiple_of3A] : memref<320000xi32, #tpu.memory_space<hbm>> -> memref<80xi32, #tpu.memory_space<hbm>>
        %dma_wait3A_65 = tpu.memref_slice %arg2[%multiple_of3A] : memref<320000xi32, #tpu.memory_space<hbm>> -> memref<80xi32, #tpu.memory_space<hbm>>
        tpu.wait_dma2 semaphore(%arg11 : memref<!tpu.dma_semaphore, #tpu.memory_space<semaphore_mem>>) src(%dma_wait3A_65 : memref<80xi32, #tpu.memory_space<hbm>>) dst(%arg7 : memref<80xi32, #tpu.memory_space<vmem>>)
        %dma_start3A = arith.constant 0 : i32
        %dma_start3A_66 = arith.constant 0 : i32
        %dma_start3A_67 = tpu.memref_slice %arg10[%dma_start3A, %dma_start3A_66] : memref<10000x128xf32, #tpu.memory_space<vmem_shared>> -> memref<10000x128xf32, #tpu.memory_space<vmem_shared>>
        tpu.enqueue_indirect_dma source(%arg9 : memref<80x128xf32, #tpu.memory_space<vmem>>) target(%dma_start3A_67 : memref<10000x128xf32, #tpu.memory_space<vmem_shared>>) offsets(%arg7 : memref<80xi32, #tpu.memory_space<vmem>>) semaphore(%arg13 : memref<!tpu.dma_semaphore, #tpu.memory_space<semaphore_mem>>) {add = true}
      } else {
      }
    }
    %scan3A_11 = arith.constant 63 : i32
    %dma_wait3A = arith.constant 0 : i32
    %dma_wait3A_12 = arith.constant 0 : i32
    %dma_wait3A_13 = tpu.memref_slice %arg10[%dma_wait3A, %dma_wait3A_12] : memref<10000x128xf32, #tpu.memory_space<vmem_shared>> -> memref<10000x128xf32, #tpu.memory_space<vmem_shared>>
    tpu.wait_indirect_dma semaphore(%arg13 : memref<!tpu.dma_semaphore, #tpu.memory_space<semaphore_mem>>) src(%arg9 : memref<80x128xf32, #tpu.memory_space<vmem>>) dst(%dma_wait3A_13 : memref<10000x128xf32, #tpu.memory_space<vmem_shared>>)
    %barrier3A_14 = arith.constant 0 : index
    tpu.barrier barrier_id(%barrier3A_14)
    %eq3A_15 = arith.constant 0 : i32
    %eq3A_16 = arith.cmpi eq, %arg0, %eq3A_15 : i32
    %convert_element_type3A_17 = arith.extui %eq3A_16 : i1 to i32
    %cond3A_18 = arith.constant 0 : i32
    %cond3A_19 = arith.cmpi ne, %convert_element_type3A_17, %cond3A_18 : i32
    scf.if %cond3A_19 {
      "tpu.region"() ({
        %run_scoped3A = tpu.sem_alloc : memref<!tpu.dma_semaphore, #tpu.memory_space<semaphore_mem>>
        %dma_start3A = arith.constant 0 : i32
        %dma_start3A_30 = tpu.memref_slice %arg5[%mul3A_2, %dma_start3A] : memref<10000x128xf32, #tpu.memory_space<hbm>> -> memref<624x128xf32, #tpu.memory_space<hbm>>
        %dma_start3A_31 = arith.constant 0 : i32
        %dma_start3A_32 = tpu.memref_slice %arg10[%mul3A_2, %dma_start3A_31] : memref<10000x128xf32, #tpu.memory_space<vmem_shared>> -> memref<624x128xf32, #tpu.memory_space<vmem_shared>>
        tpu.enqueue_dma source(%dma_start3A_32 : memref<624x128xf32, #tpu.memory_space<vmem_shared>>) target(%dma_start3A_30 : memref<624x128xf32, #tpu.memory_space<hbm>>) target_semaphore(%run_scoped3A : memref<!tpu.dma_semaphore, #tpu.memory_space<semaphore_mem>>)
        %dma_wait3A_33 = arith.constant 0 : i32
        %dma_wait3A_34 = tpu.memref_slice %arg5[%mul3A_2, %dma_wait3A_33] : memref<10000x128xf32, #tpu.memory_space<hbm>> -> memref<624x128xf32, #tpu.memory_space<hbm>>
        %dma_wait3A_35 = arith.constant 0 : i32
        %dma_wait3A_36 = tpu.memref_slice %arg10[%mul3A_2, %dma_wait3A_35] : memref<10000x128xf32, #tpu.memory_space<vmem_shared>> -> memref<624x128xf32, #tpu.memory_space<vmem_shared>>
        tpu.wait_dma2 semaphore(%run_scoped3A : memref<!tpu.dma_semaphore, #tpu.memory_space<semaphore_mem>>) src(%dma_wait3A_36 : memref<624x128xf32, #tpu.memory_space<vmem_shared>>) dst(%dma_wait3A_34 : memref<624x128xf32, #tpu.memory_space<hbm>>)
        tpu.yield
      }) : () -> ()
      %eq3A_25 = arith.constant 15 : i32
      %eq3A_26 = arith.cmpi eq, %arg1, %eq3A_25 : i32
      %convert_element_type3A_27 = arith.extui %eq3A_26 : i1 to i32
      %cond3A_28 = arith.constant 0 : i32
      %cond3A_29 = arith.cmpi ne, %convert_element_type3A_27, %cond3A_28 : i32
      scf.if %cond3A_29 {
        "tpu.region"() ({
          %run_scoped3A = tpu.sem_alloc : memref<!tpu.dma_semaphore, #tpu.memory_space<semaphore_mem>>
          %dma_start3A = arith.constant 9984 : i32
          %dma_start3A_30 = arith.constant 0 : i32
          %dma_start3A_31 = tpu.memref_slice %arg5[%dma_start3A, %dma_start3A_30] : memref<10000x128xf32, #tpu.memory_space<hbm>> -> memref<16x128xf32, #tpu.memory_space<hbm>>
          %dma_start3A_32 = arith.constant 9984 : i32
          %dma_start3A_33 = arith.constant 0 : i32
          %dma_start3A_34 = tpu.memref_slice %arg10[%dma_start3A_32, %dma_start3A_33] : memref<10000x128xf32, #tpu.memory_space<vmem_shared>> -> memref<16x128xf32, #tpu.memory_space<vmem_shared>>
          tpu.enqueue_dma source(%dma_start3A_34 : memref<16x128xf32, #tpu.memory_space<vmem_shared>>) target(%dma_start3A_31 : memref<16x128xf32, #tpu.memory_space<hbm>>) target_semaphore(%run_scoped3A : memref<!tpu.dma_semaphore, #tpu.memory_space<semaphore_mem>>)
          %dma_wait3A_35 = arith.constant 9984 : i32
          %dma_wait3A_36 = arith.constant 0 : i32
          %dma_wait3A_37 = tpu.memref_slice %arg5[%dma_wait3A_35, %dma_wait3A_36] : memref<10000x128xf32, #tpu.memory_space<hbm>> -> memref<16x128xf32, #tpu.memory_space<hbm>>
          %dma_wait3A_38 = arith.constant 9984 : i32
          %dma_wait3A_39 = arith.constant 0 : i32
          %dma_wait3A_40 = tpu.memref_slice %arg10[%dma_wait3A_38, %dma_wait3A_39] : memref<10000x128xf32, #tpu.memory_space<vmem_shared>> -> memref<16x128xf32, #tpu.memory_space<vmem_shared>>
          tpu.wait_dma2 semaphore(%run_scoped3A : memref<!tpu.dma_semaphore, #tpu.memory_space<semaphore_mem>>) src(%dma_wait3A_40 : memref<16x128xf32, #tpu.memory_space<vmem_shared>>) dst(%dma_wait3A_37 : memref<16x128xf32, #tpu.memory_space<hbm>>)
          tpu.yield
        }) : () -> ()
      } else {
      }
    } else {
    }
    %eq3A_20 = arith.constant 1 : i32
    %eq3A_21 = arith.cmpi eq, %arg0, %eq3A_20 : i32
    %convert_element_type3A_22 = arith.extui %eq3A_21 : i1 to i32
    %cond3A_23 = arith.constant 0 : i32
    %cond3A_24 = arith.cmpi ne, %convert_element_type3A_22, %cond3A_23 : i32
    scf.if %cond3A_24 {
      "tpu.region"() ({
        %run_scoped3A = tpu.sem_alloc : memref<!tpu.dma_semaphore, #tpu.memory_space<semaphore_mem>>
        %dma_start3A = arith.constant 0 : i32
        %dma_start3A_30 = tpu.memref_slice %arg6[%mul3A_2, %dma_start3A] : memref<10000x128xf32, #tpu.memory_space<hbm>> -> memref<624x128xf32, #tpu.memory_space<hbm>>
        %dma_start3A_31 = arith.constant 0 : i32
        %dma_start3A_32 = tpu.memref_slice %arg10[%mul3A_2, %dma_start3A_31] : memref<10000x128xf32, #tpu.memory_space<vmem_shared>> -> memref<624x128xf32, #tpu.memory_space<vmem_shared>>
        tpu.enqueue_dma source(%dma_start3A_32 : memref<624x128xf32, #tpu.memory_space<vmem_shared>>) target(%dma_start3A_30 : memref<624x128xf32, #tpu.memory_space<hbm>>) target_semaphore(%run_scoped3A : memref<!tpu.dma_semaphore, #tpu.memory_space<semaphore_mem>>)
        %dma_wait3A_33 = arith.constant 0 : i32
        %dma_wait3A_34 = tpu.memref_slice %arg6[%mul3A_2, %dma_wait3A_33] : memref<10000x128xf32, #tpu.memory_space<hbm>> -> memref<624x128xf32, #tpu.memory_space<hbm>>
        %dma_wait3A_35 = arith.constant 0 : i32
        %dma_wait3A_36 = tpu.memref_slice %arg10[%mul3A_2, %dma_wait3A_35] : memref<10000x128xf32, #tpu.memory_space<vmem_shared>> -> memref<624x128xf32, #tpu.memory_space<vmem_shared>>
        tpu.wait_dma2 semaphore(%run_scoped3A : memref<!tpu.dma_semaphore, #tpu.memory_space<semaphore_mem>>) src(%dma_wait3A_36 : memref<624x128xf32, #tpu.memory_space<vmem_shared>>) dst(%dma_wait3A_34 : memref<624x128xf32, #tpu.memory_space<hbm>>)
        tpu.yield
      }) : () -> ()
      %eq3A_25 = arith.constant 15 : i32
      %eq3A_26 = arith.cmpi eq, %arg1, %eq3A_25 : i32
      %convert_element_type3A_27 = arith.extui %eq3A_26 : i1 to i32
      %cond3A_28 = arith.constant 0 : i32
      %cond3A_29 = arith.cmpi ne, %convert_element_type3A_27, %cond3A_28 : i32
      scf.if %cond3A_29 {
        "tpu.region"() ({
          %run_scoped3A = tpu.sem_alloc : memref<!tpu.dma_semaphore, #tpu.memory_space<semaphore_mem>>
          %dma_start3A = arith.constant 9984 : i32
          %dma_start3A_30 = arith.constant 0 : i32
          %dma_start3A_31 = tpu.memref_slice %arg6[%dma_start3A, %dma_start3A_30] : memref<10000x128xf32, #tpu.memory_space<hbm>> -> memref<16x128xf32, #tpu.memory_space<hbm>>
          %dma_start3A_32 = arith.constant 9984 : i32
          %dma_start3A_33 = arith.constant 0 : i32
          %dma_start3A_34 = tpu.memref_slice %arg10[%dma_start3A_32, %dma_start3A_33] : memref<10000x128xf32, #tpu.memory_space<vmem_shared>> -> memref<16x128xf32, #tpu.memory_space<vmem_shared>>
          tpu.enqueue_dma source(%dma_start3A_34 : memref<16x128xf32, #tpu.memory_space<vmem_shared>>) target(%dma_start3A_31 : memref<16x128xf32, #tpu.memory_space<hbm>>) target_semaphore(%run_scoped3A : memref<!tpu.dma_semaphore, #tpu.memory_space<semaphore_mem>>)
          %dma_wait3A_35 = arith.constant 9984 : i32
          %dma_wait3A_36 = arith.constant 0 : i32
          %dma_wait3A_37 = tpu.memref_slice %arg6[%dma_wait3A_35, %dma_wait3A_36] : memref<10000x128xf32, #tpu.memory_space<hbm>> -> memref<16x128xf32, #tpu.memory_space<hbm>>
          %dma_wait3A_38 = arith.constant 9984 : i32
          %dma_wait3A_39 = arith.constant 0 : i32
          %dma_wait3A_40 = tpu.memref_slice %arg10[%dma_wait3A_38, %dma_wait3A_39] : memref<10000x128xf32, #tpu.memory_space<vmem_shared>> -> memref<16x128xf32, #tpu.memory_space<vmem_shared>>
          tpu.wait_dma2 semaphore(%run_scoped3A : memref<!tpu.dma_semaphore, #tpu.memory_space<semaphore_mem>>) src(%dma_wait3A_40 : memref<16x128xf32, #tpu.memory_space<vmem_shared>>) dst(%dma_wait3A_37 : memref<16x128xf32, #tpu.memory_space<hbm>>)
          tpu.yield
        }) : () -> ()
      } else {
      }
    } else {
    }
    return
  }
}

module attributes {stable_mosaic.version = 14 : i64} {
  func.func @_tc0_body(%arg0: i32, %arg1: memref<2000x128xf32, #tpu.memory_space<vmem>>, %arg2: memref<128x128xf32, #tpu.memory_space<vmem>>, %arg3: memref<2000x128xf32, #tpu.memory_space<vmem>>) attributes {dimension_semantics = [#tpu.dimension_semantics<arbitrary>], iteration_bounds = array<i64: 5>, scalar_prefetch = 0 : i64, scratch_operands = 0 : i64, tpu.core_type = #tpu.core_type<tc>, window_params = [{transform_indices = @transform_0, window_bounds = array<i64: 2000, 128>}, {pipeline_mode = #tpu.pipeline_mode<synchronous>, transform_indices = @transform_1, window_bounds = array<i64: 128, 128>}, {transform_indices = @transform_2, window_bounds = array<i64: 2000, 128>}]} {
    %get3A = arith.constant 0 : index
    %get3A_0 = arith.constant 0 : index
    %get3A_1 = vector.load %arg1[%get3A, %get3A_0] : memref<2000x128xf32, #tpu.memory_space<vmem>>, vector<2000x128xf32>
    %get3A_2 = arith.constant 0 : index
    %get3A_3 = arith.constant 0 : index
    %get3A_4 = vector.load %arg2[%get3A_2, %get3A_3] : memref<128x128xf32, #tpu.memory_space<vmem>>, vector<128x128xf32>
    %dot_general3A = arith.constant dense<0.000000e+00> : vector<2000x128xf32>
    %dot_general3A_5 = tpu.matmul %get3A_1, %get3A_4, %dot_general3A {dimension_numbers = #tpu.dot_dimension_numbers<[1], [0], [0], [1], [0, 0, 1, 1], [], []>, transpose_lhs_hint = false} : vector<2000x128xf32>, vector<128x128xf32>, vector<2000x128xf32> -> vector<2000x128xf32>
    %swap3A = arith.constant 0 : index
    %swap3A_6 = arith.constant 0 : index
    %swap3A_7 = vector.load %arg3[%swap3A, %swap3A_6] : memref<2000x128xf32, #tpu.memory_space<vmem>>, vector<2000x128xf32>
    tpu.vector_store %arg3[%swap3A, %swap3A_6], %dot_general3A_5 {strides = array<i32>} : memref<2000x128xf32, #tpu.memory_space<vmem>>, vector<2000x128xf32>,
    return
  }
  func.func @transform_0(%arg0: i32) -> (i32, i32) {
    %c0_i32 = arith.constant 0 : i32
    %c0_i32_0 = arith.constant 0 : i32
    return %arg0, %c0_i32 : i32, i32
  }
  func.func @transform_1(%arg0: i32) -> (i32, i32) {
    %c0_i32 = arith.constant 0 : i32
    %c0_i32_0 = arith.constant 0 : i32
    %c0_i32_1 = arith.constant 0 : i32
    return %c0_i32, %c0_i32_0 : i32, i32
  }
  func.func @transform_2(%arg0: i32) -> (i32, i32) {
    %c0_i32 = arith.constant 0 : i32
    %c0_i32_0 = arith.constant 0 : i32
    return %arg0, %c0_i32 : i32, i32
  }
}

module attributes {stable_mosaic.version = 14 : i64} {
  func.func @_tc2_body(%arg0: i32, %arg1: memref<2000x128xf32, #tpu.memory_space<vmem>>, %arg2: memref<2000x128xf32, #tpu.memory_space<vmem>>, %arg3: memref<2000x128xf32, #tpu.memory_space<vmem>>, %arg4: memref<2000x16xf32, #tpu.memory_space<vmem>>, %arg5: memref<128x128xf32, #tpu.memory_space<vmem>>, %arg6: memref<1x128xf32, #tpu.memory_space<vmem>>, %arg7: memref<2000x128xf32, #tpu.memory_space<vmem>>) attributes {dimension_semantics = [#tpu.dimension_semantics<arbitrary>], iteration_bounds = array<i64: 5>, scalar_prefetch = 0 : i64, scratch_operands = 0 : i64, tpu.core_type = #tpu.core_type<tc>, window_params = [{transform_indices = @transform_0, window_bounds = array<i64: 2000, 128>}, {transform_indices = @transform_1, window_bounds = array<i64: 2000, 128>}, {transform_indices = @transform_2, window_bounds = array<i64: 2000, 128>}, {transform_indices = @transform_3, window_bounds = array<i64: 2000, 16>}, {pipeline_mode = #tpu.pipeline_mode<synchronous>, transform_indices = @transform_4, window_bounds = array<i64: 128, 128>}, {pipeline_mode = #tpu.pipeline_mode<synchronous>, transform_indices = @transform_5, window_bounds = array<i64: 1, 128>}, {transform_indices = @transform_6, window_bounds = array<i64: 2000, 128>}]} {
    %get3A = arith.constant 0 : index
    %get3A_0 = arith.constant 0 : index
    %get3A_1 = vector.load %arg4[%get3A, %get3A_0] : memref<2000x16xf32, #tpu.memory_space<vmem>>, vector<2000x1xf32>
    %get3A_2 = arith.constant 0 : index
    %get3A_3 = arith.constant 0 : index
    %get3A_4 = vector.load %arg1[%get3A_2, %get3A_3] : memref<2000x128xf32, #tpu.memory_space<vmem>>, vector<2000x128xf32>
    %get3A_5 = arith.constant 0 : index
    %get3A_6 = arith.constant 0 : index
    %get3A_7 = vector.load %arg2[%get3A_5, %get3A_6] : memref<2000x128xf32, #tpu.memory_space<vmem>>, vector<2000x128xf32>
    %add3A = arith.addf %get3A_4, %get3A_7 : vector<2000x128xf32>
    %get3A_8 = arith.constant 0 : index
    %get3A_9 = arith.constant 0 : index
    %get3A_10 = vector.load %arg3[%get3A_8, %get3A_9] : memref<2000x128xf32, #tpu.memory_space<vmem>>, vector<2000x128xf32>
    %add3A_11 = arith.addf %add3A, %get3A_10 : vector<2000x128xf32>
    %mul3A = vector.broadcast %get3A_1 : vector<2000x1xf32> to vector<2000x128xf32>
    %mul3A_12 = arith.mulf %mul3A, %add3A_11 : vector<2000x128xf32>
    %get3A_13 = arith.constant 0 : index
    %get3A_14 = arith.constant 0 : index
    %get3A_15 = vector.load %arg6[%get3A_13, %get3A_14] : memref<1x128xf32, #tpu.memory_space<vmem>>, vector<1x128xf32>
    %add3A_16 = vector.broadcast %get3A_15 : vector<1x128xf32> to vector<2000x128xf32>
    %add3A_17 = arith.addf %mul3A_12, %add3A_16 : vector<2000x128xf32>
    %max3A = arith.constant 0.000000e+00 : f32
    %max3A_18 = vector.broadcast %max3A : f32 to vector<2000x128xf32>
    %max3A_19 = arith.maximumf %add3A_17, %max3A_18 : vector<2000x128xf32>
    %get3A_20 = arith.constant 0 : index
    %get3A_21 = arith.constant 0 : index
    %get3A_22 = vector.load %arg5[%get3A_20, %get3A_21] : memref<128x128xf32, #tpu.memory_space<vmem>>, vector<128x128xf32>
    %dot_general3A = arith.constant dense<0.000000e+00> : vector<2000x128xf32>
    %dot_general3A_23 = tpu.matmul %max3A_19, %get3A_22, %dot_general3A {dimension_numbers = #tpu.dot_dimension_numbers<[1], [0], [0], [1], [0, 0, 1, 1], [], []>, transpose_lhs_hint = false} : vector<2000x128xf32>, vector<128x128xf32>, vector<2000x128xf32> -> vector<2000x128xf32>
    %mul3A_24 = vector.broadcast %get3A_1 : vector<2000x1xf32> to vector<2000x128xf32>
    %mul3A_25 = arith.mulf %mul3A_24, %dot_general3A_23 : vector<2000x128xf32>
    %swap3A = arith.constant 0 : index
    %swap3A_26 = arith.constant 0 : index
    %swap3A_27 = vector.load %arg7[%swap3A, %swap3A_26] : memref<2000x128xf32, #tpu.memory_space<vmem>>, vector<2000x128xf32>
    tpu.vector_store %arg7[%swap3A, %swap3A_26], %mul3A_25 {strides = array<i32>} : memref<2000x128xf32, #tpu.memory_space<vmem>>, vector<2000x128xf32>,
    return
  }
  func.func @transform_0(%arg0: i32) -> (i32, i32) {
    %c0_i32 = arith.constant 0 : i32
    %c0_i32_0 = arith.constant 0 : i32
    return %arg0, %c0_i32 : i32, i32
  }
  func.func @transform_1(%arg0: i32) -> (i32, i32) {
    %c0_i32 = arith.constant 0 : i32
    %c0_i32_0 = arith.constant 0 : i32
    return %arg0, %c0_i32 : i32, i32
  }
  func.func @transform_2(%arg0: i32) -> (i32, i32) {
    %c0_i32 = arith.constant 0 : i32
    %c0_i32_0 = arith.constant 0 : i32
    return %arg0, %c0_i32 : i32, i32
  }
  func.func @transform_3(%arg0: i32) -> (i32, i32) {
    %c0_i32 = arith.constant 0 : i32
    %c0_i32_0 = arith.constant 0 : i32
    return %arg0, %c0_i32 : i32, i32
  }
  func.func @transform_4(%arg0: i32) -> (i32, i32) {
    %c0_i32 = arith.constant 0 : i32
    %c0_i32_0 = arith.constant 0 : i32
    %c0_i32_1 = arith.constant 0 : i32
    return %c0_i32, %c0_i32_0 : i32, i32
  }
  func.func @transform_5(%arg0: i32) -> (i32, i32) {
    %c0_i32 = arith.constant 0 : i32
    %c0_i32_0 = arith.constant 0 : i32
    %c0_i32_1 = arith.constant 0 : i32
    return %c0_i32, %c0_i32_0 : i32, i32
  }
  func.func @transform_6(%arg0: i32) -> (i32, i32) {
    %c0_i32 = arith.constant 0 : i32
    %c0_i32_0 = arith.constant 0 : i32
    return %arg0, %c0_i32 : i32, i32
  }
}

module attributes {stable_mosaic.version = 14 : i64} {
  func.func @_tc1_body(%arg0: i32, %arg1: memref<2000x128xf32, #tpu.memory_space<vmem>>, %arg2: memref<2000x128xf32, #tpu.memory_space<vmem>>, %arg3: memref<2000x128xf32, #tpu.memory_space<vmem>>, %arg4: memref<2000x128xf32, #tpu.memory_space<vmem>>, %arg5: memref<2000x16xf32, #tpu.memory_space<vmem>>) attributes {dimension_semantics = [#tpu.dimension_semantics<arbitrary>], iteration_bounds = array<i64: 5>, scalar_prefetch = 0 : i64, scratch_operands = 0 : i64, tpu.core_type = #tpu.core_type<tc>, window_params = [{transform_indices = @transform_0, window_bounds = array<i64: 2000, 128>}, {transform_indices = @transform_1, window_bounds = array<i64: 2000, 128>}, {transform_indices = @transform_2, window_bounds = array<i64: 2000, 128>}, {transform_indices = @transform_3, window_bounds = array<i64: 2000, 128>}, {transform_indices = @transform_4, window_bounds = array<i64: 2000, 16>}]} {
    %get3A = arith.constant 0 : index
    %get3A_0 = arith.constant 0 : index
    %get3A_1 = vector.load %arg2[%get3A, %get3A_0] : memref<2000x128xf32, #tpu.memory_space<vmem>>, vector<2000x1xf32>
    %get3A_2 = arith.constant 0 : index
    %get3A_3 = arith.constant 0 : index
    %get3A_4 = vector.load %arg3[%get3A_2, %get3A_3] : memref<2000x128xf32, #tpu.memory_space<vmem>>, vector<2000x1xf32>
    %add3A = arith.addf %get3A_1, %get3A_4 : vector<2000x1xf32>
    %add3A_5 = arith.constant 1.000000e+00 : f32
    %add3A_6 = vector.broadcast %add3A_5 : f32 to vector<2000x1xf32>
    %add3A_7 = arith.addf %add3A, %add3A_6 : vector<2000x1xf32>
    %rsqrt3A = math.rsqrt %add3A_7 : vector<2000x1xf32>
    %get3A_8 = arith.constant 0 : index
    %get3A_9 = arith.constant 0 : index
    %get3A_10 = vector.load %arg1[%get3A_8, %get3A_9] : memref<2000x128xf32, #tpu.memory_space<vmem>>, vector<2000x128xf32>
    %mul3A = vector.broadcast %rsqrt3A : vector<2000x1xf32> to vector<2000x128xf32>
    %mul3A_11 = arith.mulf %mul3A, %get3A_10 : vector<2000x128xf32>
    %swap3A = arith.constant 0 : index
    %swap3A_12 = arith.constant 0 : index
    %swap3A_13 = vector.load %arg4[%swap3A, %swap3A_12] : memref<2000x128xf32, #tpu.memory_space<vmem>>, vector<2000x128xf32>
    tpu.vector_store %arg4[%swap3A, %swap3A_12], %mul3A_11 {strides = array<i32>} : memref<2000x128xf32, #tpu.memory_space<vmem>>, vector<2000x128xf32>,
    %broadcast_in_dim3A = vector.shape_cast %rsqrt3A : vector<2000x1xf32> to vector<2000x1xf32>
    %broadcast_in_dim3A_14 = vector.broadcast %broadcast_in_dim3A : vector<2000x1xf32> to vector<2000x16xf32>
    %swap3A_15 = arith.constant 0 : index
    %swap3A_16 = arith.constant 0 : index
    %swap3A_17 = vector.load %arg5[%swap3A_15, %swap3A_16] : memref<2000x16xf32, #tpu.memory_space<vmem>>, vector<2000x16xf32>
    tpu.vector_store %arg5[%swap3A_15, %swap3A_16], %broadcast_in_dim3A_14 {strides = array<i32>} : memref<2000x16xf32, #tpu.memory_space<vmem>>, vector<2000x16xf32>,
    return
  }
  func.func @transform_0(%arg0: i32) -> (i32, i32) {
    %c0_i32 = arith.constant 0 : i32
    %c0_i32_0 = arith.constant 0 : i32
    return %arg0, %c0_i32 : i32, i32
  }
  func.func @transform_1(%arg0: i32) -> (i32, i32) {
    %c0_i32 = arith.constant 0 : i32
    %c0_i32_0 = arith.constant 0 : i32
    return %arg0, %c0_i32 : i32, i32
  }
  func.func @transform_2(%arg0: i32) -> (i32, i32) {
    %c0_i32 = arith.constant 0 : i32
    %c0_i32_0 = arith.constant 0 : i32
    return %arg0, %c0_i32 : i32, i32
  }
  func.func @transform_3(%arg0: i32) -> (i32, i32) {
    %c0_i32 = arith.constant 0 : i32
    %c0_i32_0 = arith.constant 0 : i32
    return %arg0, %c0_i32 : i32, i32
  }
  func.func @transform_4(%arg0: i32) -> (i32, i32) {
    %c0_i32 = arith.constant 0 : i32
    %c0_i32_0 = arith.constant 0 : i32
    return %arg0, %c0_i32 : i32, i32
  }
}

module attributes {stable_mosaic.version = 14 : i64} {
  func.func @_tc3_body(%arg0: i32, %arg1: memref<2000x128xf32, #tpu.memory_space<vmem>>, %arg2: memref<2000x128xf32, #tpu.memory_space<vmem>>, %arg3: memref<2000x128xf32, #tpu.memory_space<vmem>>, %arg4: memref<2000x16xf32, #tpu.memory_space<vmem>>, %arg5: memref<1x128xf32, #tpu.memory_space<vmem>>, %arg6: memref<128x128xf32, #tpu.memory_space<vmem>>, %arg7: memref<1x128xf32, #tpu.memory_space<vmem>>, %arg8: memref<128x128xf32, #tpu.memory_space<vmem>>, %arg9: memref<1x128xf32, #tpu.memory_space<vmem>>, %arg10: memref<128x10xf32, #tpu.memory_space<vmem>>, %arg11: memref<1x10xf32, #tpu.memory_space<vmem>>, %arg12: memref<128x10xf32, #tpu.memory_space<vmem>>, %arg13: memref<1x10xf32, #tpu.memory_space<vmem>>, %arg14: memref<2000x10xf32, #tpu.memory_space<vmem>>, %arg15: memref<2000x10xf32, #tpu.memory_space<vmem>>, %arg16: memref<2000x128xf32, #tpu.memory_space<vmem>>) attributes {dimension_semantics = [#tpu.dimension_semantics<arbitrary>], iteration_bounds = array<i64: 5>, scalar_prefetch = 0 : i64, scratch_operands = 0 : i64, tpu.core_type = #tpu.core_type<tc>, window_params = [{transform_indices = @transform_0, window_bounds = array<i64: 2000, 128>}, {transform_indices = @transform_1, window_bounds = array<i64: 2000, 128>}, {transform_indices = @transform_2, window_bounds = array<i64: 2000, 128>}, {transform_indices = @transform_3, window_bounds = array<i64: 2000, 16>}, {pipeline_mode = #tpu.pipeline_mode<synchronous>, transform_indices = @transform_4, window_bounds = array<i64: 1, 128>}, {pipeline_mode = #tpu.pipeline_mode<synchronous>, transform_indices = @transform_5, window_bounds = array<i64: 128, 128>}, {pipeline_mode = #tpu.pipeline_mode<synchronous>, transform_indices = @transform_6, window_bounds = array<i64: 1, 128>}, {pipeline_mode = #tpu.pipeline_mode<synchronous>, transform_indices = @transform_7, window_bounds = array<i64: 128, 128>}, {pipeline_mode = #tpu.pipeline_mode<synchronous>, transform_indices = @transform_8, window_bounds = array<i64: 1, 128>}, {pipeline_mode = #tpu.pipeline_mode<synchronous>, transform_indices = @transform_9, window_bounds = array<i64: 128, 10>}, {pipeline_mode = #tpu.pipeline_mode<synchronous>, transform_indices = @transform_10, window_bounds = array<i64: 1, 10>}, {pipeline_mode = #tpu.pipeline_mode<synchronous>, transform_indices = @transform_11, window_bounds = array<i64: 128, 10>}, {pipeline_mode = #tpu.pipeline_mode<synchronous>, transform_indices = @transform_12, window_bounds = array<i64: 1, 10>}, {transform_indices = @transform_13, window_bounds = array<i64: 2000, 10>}, {transform_indices = @transform_14, window_bounds = array<i64: 2000, 10>}, {transform_indices = @transform_15, window_bounds = array<i64: 2000, 128>}]} {
    %get3A = arith.constant 0 : index
    %get3A_0 = arith.constant 0 : index
    %get3A_1 = vector.load %arg4[%get3A, %get3A_0] : memref<2000x16xf32, #tpu.memory_space<vmem>>, vector<2000x1xf32>
    %get3A_2 = arith.constant 0 : index
    %get3A_3 = arith.constant 0 : index
    %get3A_4 = vector.load %arg1[%get3A_2, %get3A_3] : memref<2000x128xf32, #tpu.memory_space<vmem>>, vector<2000x128xf32>
    %get3A_5 = arith.constant 0 : index
    %get3A_6 = arith.constant 0 : index
    %get3A_7 = vector.load %arg2[%get3A_5, %get3A_6] : memref<2000x128xf32, #tpu.memory_space<vmem>>, vector<2000x128xf32>
    %add3A = arith.addf %get3A_4, %get3A_7 : vector<2000x128xf32>
    %get3A_8 = arith.constant 0 : index
    %get3A_9 = arith.constant 0 : index
    %get3A_10 = vector.load %arg3[%get3A_8, %get3A_9] : memref<2000x128xf32, #tpu.memory_space<vmem>>, vector<2000x128xf32>
    %add3A_11 = arith.addf %add3A, %get3A_10 : vector<2000x128xf32>
    %mul3A = vector.broadcast %get3A_1 : vector<2000x1xf32> to vector<2000x128xf32>
    %mul3A_12 = arith.mulf %mul3A, %add3A_11 : vector<2000x128xf32>
    %get3A_13 = arith.constant 0 : index
    %get3A_14 = arith.constant 0 : index
    %get3A_15 = vector.load %arg5[%get3A_13, %get3A_14] : memref<1x128xf32, #tpu.memory_space<vmem>>, vector<1x128xf32>
    %add3A_16 = vector.broadcast %get3A_15 : vector<1x128xf32> to vector<2000x128xf32>
    %add3A_17 = arith.addf %mul3A_12, %add3A_16 : vector<2000x128xf32>
    %max3A = arith.constant 0.000000e+00 : f32
    %max3A_18 = vector.broadcast %max3A : f32 to vector<2000x128xf32>
    %max3A_19 = arith.maximumf %add3A_17, %max3A_18 : vector<2000x128xf32>
    %get3A_20 = arith.constant 0 : index
    %get3A_21 = arith.constant 0 : index
    %get3A_22 = vector.load %arg6[%get3A_20, %get3A_21] : memref<128x128xf32, #tpu.memory_space<vmem>>, vector<128x128xf32>
    %dot_general3A = arith.constant dense<0.000000e+00> : vector<2000x128xf32>
    %dot_general3A_23 = tpu.matmul %max3A_19, %get3A_22, %dot_general3A {dimension_numbers = #tpu.dot_dimension_numbers<[1], [0], [0], [1], [0, 0, 1, 1], [], []>, transpose_lhs_hint = false} : vector<2000x128xf32>, vector<128x128xf32>, vector<2000x128xf32> -> vector<2000x128xf32>
    %get3A_24 = arith.constant 0 : index
    %get3A_25 = arith.constant 0 : index
    %get3A_26 = vector.load %arg7[%get3A_24, %get3A_25] : memref<1x128xf32, #tpu.memory_space<vmem>>, vector<1x128xf32>
    %add3A_27 = vector.broadcast %get3A_26 : vector<1x128xf32> to vector<2000x128xf32>
    %add3A_28 = arith.addf %dot_general3A_23, %add3A_27 : vector<2000x128xf32>
    %max3A_29 = arith.constant 0.000000e+00 : f32
    %max3A_30 = vector.broadcast %max3A_29 : f32 to vector<2000x128xf32>
    %max3A_31 = arith.maximumf %add3A_28, %max3A_30 : vector<2000x128xf32>
    %swap3A = arith.constant 0 : index
    %swap3A_32 = arith.constant 0 : index
    %swap3A_33 = vector.load %arg16[%swap3A, %swap3A_32] : memref<2000x128xf32, #tpu.memory_space<vmem>>, vector<2000x128xf32>
    tpu.vector_store %arg16[%swap3A, %swap3A_32], %max3A_31 {strides = array<i32>} : memref<2000x128xf32, #tpu.memory_space<vmem>>, vector<2000x128xf32>,
    %get3A_34 = arith.constant 0 : index
    %get3A_35 = arith.constant 0 : index
    %get3A_36 = vector.load %arg8[%get3A_34, %get3A_35] : memref<128x128xf32, #tpu.memory_space<vmem>>, vector<128x128xf32>
    %dot_general3A_37 = arith.constant dense<0.000000e+00> : vector<2000x128xf32>
    %dot_general3A_38 = tpu.matmul %max3A_31, %get3A_36, %dot_general3A_37 {dimension_numbers = #tpu.dot_dimension_numbers<[1], [0], [0], [1], [0, 0, 1, 1], [], []>, transpose_lhs_hint = false} : vector<2000x128xf32>, vector<128x128xf32>, vector<2000x128xf32> -> vector<2000x128xf32>
    %get3A_39 = arith.constant 0 : index
    %get3A_40 = arith.constant 0 : index
    %get3A_41 = vector.load %arg9[%get3A_39, %get3A_40] : memref<1x128xf32, #tpu.memory_space<vmem>>, vector<1x128xf32>
    %add3A_42 = vector.broadcast %get3A_41 : vector<1x128xf32> to vector<2000x128xf32>
    %add3A_43 = arith.addf %dot_general3A_38, %add3A_42 : vector<2000x128xf32>
    %max3A_44 = arith.constant 0.000000e+00 : f32
    %max3A_45 = vector.broadcast %max3A_44 : f32 to vector<2000x128xf32>
    %max3A_46 = arith.maximumf %add3A_43, %max3A_45 : vector<2000x128xf32>
    %get3A_47 = arith.constant 0 : index
    %get3A_48 = arith.constant 0 : index
    %get3A_49 = vector.load %arg10[%get3A_47, %get3A_48] : memref<128x10xf32, #tpu.memory_space<vmem>>, vector<128x10xf32>
    %dot_general3A_50 = arith.constant dense<0.000000e+00> : vector<2000x10xf32>
    %dot_general3A_51 = tpu.matmul %max3A_46, %get3A_49, %dot_general3A_50 {dimension_numbers = #tpu.dot_dimension_numbers<[1], [0], [0], [1], [0, 0, 1, 1], [], []>, transpose_lhs_hint = false} : vector<2000x128xf32>, vector<128x10xf32>, vector<2000x10xf32> -> vector<2000x10xf32>
    %get3A_52 = arith.constant 0 : index
    %get3A_53 = arith.constant 0 : index
    %get3A_54 = vector.load %arg11[%get3A_52, %get3A_53] : memref<1x10xf32, #tpu.memory_space<vmem>>, vector<1x10xf32>
    %add3A_55 = vector.broadcast %get3A_54 : vector<1x10xf32> to vector<2000x10xf32>
    %add3A_56 = arith.addf %dot_general3A_51, %add3A_55 : vector<2000x10xf32>
    %swap3A_57 = arith.constant 0 : index
    %swap3A_58 = arith.constant 0 : index
    %swap3A_59 = vector.load %arg14[%swap3A_57, %swap3A_58] : memref<2000x10xf32, #tpu.memory_space<vmem>>, vector<2000x10xf32>
    tpu.vector_store %arg14[%swap3A_57, %swap3A_58], %add3A_56 {strides = array<i32>} : memref<2000x10xf32, #tpu.memory_space<vmem>>, vector<2000x10xf32>,
    %get3A_60 = arith.constant 0 : index
    %get3A_61 = arith.constant 0 : index
    %get3A_62 = vector.load %arg12[%get3A_60, %get3A_61] : memref<128x10xf32, #tpu.memory_space<vmem>>, vector<128x10xf32>
    %dot_general3A_63 = arith.constant dense<0.000000e+00> : vector<2000x10xf32>
    %dot_general3A_64 = tpu.matmul %max3A_46, %get3A_62, %dot_general3A_63 {dimension_numbers = #tpu.dot_dimension_numbers<[1], [0], [0], [1], [0, 0, 1, 1], [], []>, transpose_lhs_hint = false} : vector<2000x128xf32>, vector<128x10xf32>, vector<2000x10xf32> -> vector<2000x10xf32>
    %get3A_65 = arith.constant 0 : index
    %get3A_66 = arith.constant 0 : index
    %get3A_67 = vector.load %arg13[%get3A_65, %get3A_66] : memref<1x10xf32, #tpu.memory_space<vmem>>, vector<1x10xf32>
    %add3A_68 = vector.broadcast %get3A_67 : vector<1x10xf32> to vector<2000x10xf32>
    %add3A_69 = arith.addf %dot_general3A_64, %add3A_68 : vector<2000x10xf32>
    %swap3A_70 = arith.constant 0 : index
    %swap3A_71 = arith.constant 0 : index
    %swap3A_72 = vector.load %arg15[%swap3A_70, %swap3A_71] : memref<2000x10xf32, #tpu.memory_space<vmem>>, vector<2000x10xf32>
    tpu.vector_store %arg15[%swap3A_70, %swap3A_71], %add3A_69 {strides = array<i32>} : memref<2000x10xf32, #tpu.memory_space<vmem>>, vector<2000x10xf32>,
    return
  }
  func.func @transform_0(%arg0: i32) -> (i32, i32) {
    %c0_i32 = arith.constant 0 : i32
    %c0_i32_0 = arith.constant 0 : i32
    return %arg0, %c0_i32 : i32, i32
  }
  func.func @transform_1(%arg0: i32) -> (i32, i32) {
    %c0_i32 = arith.constant 0 : i32
    %c0_i32_0 = arith.constant 0 : i32
    return %arg0, %c0_i32 : i32, i32
  }
  func.func @transform_2(%arg0: i32) -> (i32, i32) {
    %c0_i32 = arith.constant 0 : i32
    %c0_i32_0 = arith.constant 0 : i32
    return %arg0, %c0_i32 : i32, i32
  }
  func.func @transform_3(%arg0: i32) -> (i32, i32) {
    %c0_i32 = arith.constant 0 : i32
    %c0_i32_0 = arith.constant 0 : i32
    return %arg0, %c0_i32 : i32, i32
  }
  func.func @transform_4(%arg0: i32) -> (i32, i32) {
    %c0_i32 = arith.constant 0 : i32
    %c0_i32_0 = arith.constant 0 : i32
    %c0_i32_1 = arith.constant 0 : i32
    return %c0_i32, %c0_i32_0 : i32, i32
  }
  func.func @transform_5(%arg0: i32) -> (i32, i32) {
    %c0_i32 = arith.constant 0 : i32
    %c0_i32_0 = arith.constant 0 : i32
    %c0_i32_1 = arith.constant 0 : i32
    return %c0_i32, %c0_i32_0 : i32, i32
  }
  func.func @transform_6(%arg0: i32) -> (i32, i32) {
    %c0_i32 = arith.constant 0 : i32
    %c0_i32_0 = arith.constant 0 : i32
    %c0_i32_1 = arith.constant 0 : i32
    return %c0_i32, %c0_i32_0 : i32, i32
  }
  func.func @transform_7(%arg0: i32) -> (i32, i32) {
    %c0_i32 = arith.constant 0 : i32
    %c0_i32_0 = arith.constant 0 : i32
    %c0_i32_1 = arith.constant 0 : i32
    return %c0_i32, %c0_i32_0 : i32, i32
  }
  func.func @transform_8(%arg0: i32) -> (i32, i32) {
    %c0_i32 = arith.constant 0 : i32
    %c0_i32_0 = arith.constant 0 : i32
    %c0_i32_1 = arith.constant 0 : i32
    return %c0_i32, %c0_i32_0 : i32, i32
  }
  func.func @transform_9(%arg0: i32) -> (i32, i32) {
    %c0_i32 = arith.constant 0 : i32
    %c0_i32_0 = arith.constant 0 : i32
    %c0_i32_1 = arith.constant 0 : i32
    return %c0_i32, %c0_i32_0 : i32, i32
  }
  func.func @transform_10(%arg0: i32) -> (i32, i32) {
    %c0_i32 = arith.constant 0 : i32
    %c0_i32_0 = arith.constant 0 : i32
    %c0_i32_1 = arith.constant 0 : i32
    return %c0_i32, %c0_i32_0 : i32, i32
  }
  func.func @transform_11(%arg0: i32) -> (i32, i32) {
    %c0_i32 = arith.constant 0 : i32
    %c0_i32_0 = arith.constant 0 : i32
    %c0_i32_1 = arith.constant 0 : i32
    return %c0_i32, %c0_i32_0 : i32, i32
  }
  func.func @transform_12(%arg0: i32) -> (i32, i32) {
    %c0_i32 = arith.constant 0 : i32
    %c0_i32_0 = arith.constant 0 : i32
    %c0_i32_1 = arith.constant 0 : i32
    return %c0_i32, %c0_i32_0 : i32, i32
  }
  func.func @transform_13(%arg0: i32) -> (i32, i32) {
    %c0_i32 = arith.constant 0 : i32
    %c0_i32_0 = arith.constant 0 : i32
    return %arg0, %c0_i32 : i32, i32
  }
  func.func @transform_14(%arg0: i32) -> (i32, i32) {
    %c0_i32 = arith.constant 0 : i32
    %c0_i32_0 = arith.constant 0 : i32
    return %arg0, %c0_i32 : i32, i32
  }
  func.func @transform_15(%arg0: i32) -> (i32, i32) {
    %c0_i32 = arith.constant 0 : i32
    %c0_i32_0 = arith.constant 0 : i32
    return %arg0, %c0_i32 : i32, i32
  }
}

</mosaic_0001>

<sc_bundles>
// kernel: kernel.12.cloned.1.call-start
scs
__scs_entry_jumppad:
0x0: {  	(pc) =	sbr.rel $0x88, $3  }
0x1: {  	(tag) =	ssettag $0x0;
	lr =	simm.s32 $0x1  }
0x2: {  	[smem:$0x3F93] =	sst lr;
	_ =	strace $0xD0000000  }
0x3: {  	_ = 	snop  }
0x4: {  	_ = 	snop  }
0x5: {  	_ = 	snop  }
0x6: {  	_ = 	snop  }
0x7: {  	_ = 	snop  }
__scs_overlays_trampoline_lowered:
0x8: {  	[smem:$0x3FA2] =	sst s0  }
0x9: {  	[smem:$0x3FA3] =	sst s1  }
0xa: {  	[smem:$0x3FA4] =	sst s2  }
0xb: {  	[smem:$0x3FA5] =	sst s3  }
0xc: {  	[smem:$0x3FA6] =	sst s4  }
0xd: {  	[smem:$0x3FA7] =	sst s5  }
0xe: {  	[smem:$0x3FA8] =	sst s6  }
0xf: {  	[smem:$0x3FA9] =	sst s7  }
0x10: {  	[smem:$0x3FAA] =	sst s8  }
0x11: {  	[smem:$0x3FAB] =	sst s9;
	s0 =	simm.s32 @!p0 $0x0  }
0x12: {  	s1 =	sld [smem:$0x3F91];
	s0 =	simm.s32 @p0 $0x1  }
0x13: {  	[smem:$0x3FAC] =	sst s0;
	s0 =	simm.s32 @!p1 $0x0  }
0x14: {  	s2 =	sld [smem:$0x3F90];
	s0 =	simm.s32 @p1 $0x1  }
0x15: {  	[smem:$0x3FAD] =	sst s0;
	s0 =	simm.s32 @!p2 $0x0  }
0x16: {  	s3 =	sld [smem:$0x3FDB];
	s0 =	simm.s32 @p2 $0x1  }
0x17: {  	s4 =	simm.s32 $0x1BF5;
	[smem:$0x3FAF] =	sst s0  }
0x18: {  	s0 =	sld [smem:$0x3F92];
	_ =	swait.ge [sflag:s4], $0x0  }
0x19: {  	s7 =	sld [smem:$0x3F93]  }
0x1a: {  	s8 =	sadd.s32 $0xFFFFE003, lr  }
0x1b: {  	s9 =	sadd.s32 $0xFFFFFEF7, lr;
	s5 =	simm.s32 $0xFFFFFFFF;
	p2 =	slt.u32 s8, $0xFFFFF086  }
0x1c: {  	p1 =	slt.u32 s9, $0xF7A;
	s5 =	simm.s32 @!p2 $0x0  }
0x1d: {  	s5 =	simm.s32 @p1 $0x1;
	p0 =	seq.s32 s7, s2  }
0x1e: {  	s7 =	smul.u32 @!p0 $0xF7A, s2;
	p2 =	seq.s32 @!p0 s5, $0x0  }
0x1f: {  	s9 =	smul.u32 $0xF7A, s1;
	s8 =	simm.s32 @!p0 $0x1BF5;
	p2 =	por !p2, p0  }
0x20: {  	[sflag:s8] =	ssyncset.s32 @!p0 $0xFFFFF086;
	s6 =	sadd.s32 @!p0 s3, s7;
	s7 =	simm.s32 @!p0 $0x108  }
0x21: {  	s3 =	sadd.s32 s3, s9;
	s6 =	sadd.s32 @!p0 $0x88, s6;
	s7 =	simm.s32 @p2 $0x1082  }
0x22: {  	[simem:s7], [sflag:s8] =	dma.local @!p0 [hbm:s6], $0xF7A  }
0x23: {  	s9 =	sor.u32 $0xD0000000, s2;
	s6 =	simm.s32 $0x108;
	_ =	swait.ge @!p0 [sflag:s8], $0x0  }
0x24: {  	s3 =	sadd.s32 $0x88, s3;
	s6 =	simm.s32 @!p1 $0x1082;
	[sflag:s4] =	ssyncset.s32 $0xFFFFF086  }
0x25: {  	[simem:s6], [sflag:s4] =	dma.local [hbm:s3], $0xF7A  }
0x26: {  	[smem:$0x3F93] =	sst s1;
	(tag) =	ssettag s2;
	_ =	strace s9  }
0x27: {  	s1 =	sld [smem:$0x3FA3]  }
0x28: {  	s2 =	sld [smem:$0x3FA4]  }
0x29: {  	s4 =	sld [smem:$0x3FA6]  }
0x2a: {  	p0 =	seq.s32 s5, $0x0;
	s5 =	sld [smem:$0x3FA7]  }
0x2b: {  	s6 =	sld [smem:$0x3FA8]  }
0x2c: {  	s7 =	sld [smem:$0x3FA9]  }
0x2d: {  	s3 =	simm.s32 $0x108;
	s8 =	sld [smem:$0x3FAA]  }
0x2e: {  	s3 =	simm.s32 @!p0 $0x1082;
	s9 =	sld [smem:$0x3FAB]  }
0x2f: {  	lr =	sadd.s32 s0, s3;
	s0 =	sld [smem:$0x3FA2]  }
0x30: {  	s3 =	sld [smem:$0x3FA5]  }
0x31: {  	[smem:$0x3FAE] =	sst s10  }
0x32: {  	s10 =	sld [smem:$0x3FAC];
	_ =	sdelay $0x3  }
0x33: {  	p0 =	seq.s32 s10, $0x1;
	s10 =	sld [smem:$0x3FAE];
	_ =	sdelay $0x3  }
0x34: {  	[smem:$0x3FAE] =	sst s10  }
0x35: {  	s10 =	sld [smem:$0x3FAD];
	_ =	sdelay $0x3  }
0x36: {  	p1 =	seq.s32 s10, $0x1;
	s10 =	sld [smem:$0x3FAE];
	_ =	sdelay $0x3  }
0x37: {  	[smem:$0x3FAE] =	sst s10  }
0x38: {  	s10 =	sld [smem:$0x3FAF]  }
0x39: {  	_ = 	snop;
	(pc) =	sbr.ind lr, $3  }
0x3a: {  	_ = 	snop  }
0x3b: {  	_ = 	snop  }
0x3c: {  	p2 =	seq.s32 s10, $0x1;
	s10 =	sld [smem:$0x3FAE]  }
0x3d: {  	_ =	shalt  }
0x3e: {  	_ =	shalt  }
0x3f: {  	_ =	shalt  }
0x40: {  	_ =	shalt  }
0x41: {  	_ =	shalt  }
0x42: {  	_ =	shalt  }
0x43: {  	_ =	shalt  }
0x44: {  	_ =	shalt  }
0x45: {  	_ =	shalt  }
0x46: {  	_ =	shalt  }
0x47: {  	_ =	shalt  }
0x48: {  	_ =	shalt  }
0x49: {  	_ =	shalt  }
0x4a: {  	_ =	shalt  }
0x4b: {  	_ =	shalt  }
0x4c: {  	_ =	shalt  }
0x4d: {  	_ =	shalt  }
0x4e: {  	_ =	shalt  }
0x4f: {  	_ =	shalt  }
0x50: {  	_ =	shalt  }
0x51: {  	_ =	shalt  }
0x52: {  	_ =	shalt  }
0x53: {  	_ =	shalt  }
0x54: {  	_ =	shalt  }
0x55: {  	_ =	shalt  }
0x56: {  	_ =	shalt  }
0x57: {  	_ =	shalt  }
0x58: {  	_ =	shalt  }
0x59: {  	_ =	shalt  }
0x5a: {  	_ =	shalt  }
0x5b: {  	_ =	shalt  }
0x5c: {  	_ =	shalt  }
0x5d: {  	_ =	shalt  }
0x5e: {  	_ =	shalt  }
0x5f: {  	_ =	shalt  }
0x60: {  	_ =	shalt  }
0x61: {  	_ =	shalt  }
0x62: {  	_ =	shalt  }
0x63: {  	_ =	shalt  }
0x64: {  	_ =	shalt  }
0x65: {  	_ =	shalt  }
0x66: {  	_ =	shalt  }
0x67: {  	_ =	shalt  }
0x68: {  	_ =	shalt  }
0x69: {  	_ =	shalt  }
0x6a: {  	_ =	shalt  }
0x6b: {  	_ =	shalt  }
0x6c: {  	_ =	shalt  }
0x6d: {  	_ =	shalt  }
0x6e: {  	_ =	shalt  }
0x6f: {  	_ =	shalt  }
0x70: {  	_ =	shalt  }
0x71: {  	_ =	shalt  }
0x72: {  	_ =	shalt  }
0x73: {  	_ =	shalt  }
0x74: {  	_ =	shalt  }
0x75: {  	_ =	shalt  }
0x76: {  	_ =	shalt  }
0x77: {  	_ =	shalt  }
0x78: {  	_ =	shalt  }
0x79: {  	_ =	shalt  }
0x7a: {  	_ =	shalt  }
0x7b: {  	_ =	shalt  }
0x7c: {  	_ =	shalt  }
0x7d: {  	_ =	shalt  }
0x7e: {  	_ =	shalt  }
0x7f: {  	_ =	shalt  }
0x80: {  	_ =	shalt  }
0x81: {  	_ =	shalt  }
0x82: {  	_ =	shalt  }
0x83: {  	_ =	shalt  }
0x84: {  	_ =	shalt  }
0x85: {  	_ =	shalt  }
0x86: {  	_ =	shalt  }
0x87: {  	_ =	shalt  }
.Lfunc_end0:
.L_simem_size_0:
called_computation.1_lowered:
.L_overlay_start_0:
0x88: {  	s2 =	sld [smem:$0x3FD9]  }
0x89: {  	s3 =	sld [smem:$0x3FFE];
	_ =	sdelay $0x1  }
0x8a: {  	s1 =	srdreg.scid  }
0x8b: {  	s0 =	sand.u32 $0x1, s1  }
0x8c: {  	s14 =	sshll.u32 s0, $0xA;
	s2 =	sadd.s32 s3, s2  }
0x8d: {  	s2 =	sadd.s32 s2, s14  }
0x8e: {  	[smem:$0x3FBA] =	sst s2  }
0x8f: {  	_ = 	snop  }
0x90: {  	s2 =	sld [smem:$0x3FD0];
	_ =	sdelay $0x2  }
0x91: {  	s15 =	simm.s32 $0xA;
	s4 =	simm.s32 $0x10  }
0x92: {  	[smem:s4], [sflag:s15] =	dma.local [hbm:s2], $0x1  }
0x93: {  	_ =	swait.eq [sflag:s15], $0x1  }
0x94: {  	[sflag:s15] =	ssyncset.done $0x0  }
0x95: {  	s16 =	sld [smem:$0x11];
	[sflag:s15] =	ssyncadd.s32 $0xFFFFFFFF  }
0x96: {  	s17 =	sld [smem:$0x12];
	(tm) =	ssettm $0x1  }
0x97: {  	s18 =	sld [smem:$0x3FFB];
	_ =	sdelay $0x3  }
0x98: {  	_ =	strace s18  }
0x99: {  	s4 =	sld [smem:$0x3FFC];
	_ =	sdelay $0x3  }
0x9a: {  	_ =	strace s4  }
0x9b: {  	s4 =	sld [smem:$0x3FFD];
	_ =	sdelay $0x3  }
0x9c: {  	_ =	strace s4  }
0x9d: {  	_ =	strace $0x8FFFFFFF  }
0x9e: {  	s19 =	sld [smem:$0x3FDB];
	_ =	sdelay $0x1  }
0x9f: {  	s5 =	simm.s32 $_scs_section_size  }
0xa0: {  	s6 =	simm.s32 $_size__tile_overlayer_lowered;
	s7 =	simm.s32 $_tile_overlayer_lowered  }
0xa1: {  	s22 =	simm.s32 $0x1BFF;
	s21 =	sshll.u32 s7, $0x1;
	s4 =	sadd.s32 s5, s19  }
0xa2: {  	s8 =	simm.s32 $0x0;
	s20 =	sshll.u32 s6, $0x1;
	s6 =	sadd.s32 s21, s4  }
0xa3: {  	[timem:s8], [sflag:s22] =	dma.local [hbm:s6], s20  }
0xa4: {  	_ =	swait.ge [sflag:s22], s20  }
0xa5: {  	s5 =	ssub.s32 $0x0, s20;
	[sflag:s22] =	ssyncset.done $0x0  }
0xa6: {  	[sflag:s22] =	ssyncadd.s32 s5;
	_ =	sdelay $0x1  }
0xa7: {  	s23 =	simm.s32 $0x1B8B  }
0xa8: {  	_ =	swait.ge [sflag:s23], $0x1  }
0xa9: {  	[sflag:s23] =	ssyncset.done $0x0  }
0xaa: {  	s25 =	simm.s32 $0x1B8E;
	s24 =	sld [smem:$0x3FFE];
	[sflag:s23] =	ssyncadd.s32 $0xFFFFFFFF  }
0xab: {  	s26 =	simm.s32 $execute0_lowered;
	[smem:$0x3FD2] =	sst s25  }
0xac: {  	s6 =	sshll.u32 s26, $0x1;
	_ =	strace $0x80000049;
	[dreg:$0x1] =	wrdreg $0xFFFFFFFF  }
0xad: {  	s28 =	simm.s32 $_size_execute0_lowered;
	s4 =	sadd.s32 s4, s6;
	[dreg:$0x0] =	wrdreg $0x0  }
0xae: {  	s6 =	sshll.u32 s28, $0x1;
	[dreg:$0x2] =	wrdreg s4  }
0xaf: {  	[dreg:$0x3] =	wrdreg s6  }
0xb0: {  	[dreg:$0x4] =	wrdreg $0xC0  }
0xb1: {  	_ =	task [dreg:s8], $0x5FFFF  }
0xb2: {  	[dreg:$0x1] =	wrdreg $0xFFFFFFFF  }
0xb3: {  	[dreg:$0x0] =	wrdreg $0x60  }
0xb4: {  	[dreg:$0x2] =	wrdreg s17  }
0xb5: {  	[dreg:$0x3] =	wrdreg s24  }
0xb6: {  	[dreg:$0x4] =	wrdreg s16  }
0xb7: {  	[dreg:$0x5] =	wrdreg $0xA1000  }
0xb8: {  	[dreg:$0x6] =	wrdreg $0x9  }
0xb9: {  	_ =	task.clear_ibuf [dreg:s8], $0x7FFFF;
	_ =	strace $0x90000049  }
0xba: {  	s29 =	simm.s32 $0x9;
	_ =	strace $0x8000004B  }
0xbb: {  	_ =	swait.ge [sflag:s29], $0x1  }
0xbc: {  	[sflag:s29] =	ssyncadd.s32 $0xFFFFFFFF  }
0xbd: {  	_ =	strace $0x9000004B  }
0xbe: {  	_ =	sfence  }
0xbf: {  	s30 =	sld [smem:$0x0];
	_ =	sdelay $0x2  }
0xc0: {  	s31 =	sshll.u32 s1, $0xD;
	s1 =	sshrl.u32 s1, $0x2  }
0xc1: {  	s3 =	sand.u32 $0x4000, s31;
	s1 =	sadd.s32 s1, s30  }
0xc2: {  	s0 =	sor.u32 s3, s0;
	s1 =	sshll.u32 s1, $0x11  }
0xc3: {  	s0 =	sor.u32 s1, s0  }
0xc4: {  	s0 =	sadd.s32 $0x8F2B, s0  }
0xc5: {  	[sflag:s0] =	ssyncadd.remote.s32 $0x1  }
0xc6: {  	_ =	sfence.sel $0xFFFF  }
0xc7: {  	[dreg:$0x0] =	wrdreg $0xFFFFFFFF;
	(pc) =	sbr.abs _section_cstart, $3  }
0xc8: {  	[dreg:$0x1] =	wrdreg $0xFFFFFFFF  }
0xc9: {  	_ =	task.clear_ibuf [dreg:s8], $0x2FFFF;
	_ =	strace $0x9FFFFFFF  }
0xca: {  	(tm) =	ssettm $0x7FFFFFFF  }
0xcb: {  	_ =	shalt  }
tec
execute0_lowered:
.L_overlay_start_1:
0x0: {  	(tag) =	ssettag $0x1  }
0x1: {  	s1 =	rddreg [dreg:$0x0]  }
0x2: {  	s0 =	srdreg.scid;
	s2 =	rddreg [dreg:$0x1]  }
0x3: {  	s9 =	stileid.u32;
	s10 =	rddreg [dreg:$0x2]  }
0x4: {  	s4 =	rddreg [dreg:$0x3];
	s5 =	simm.s32 $0x0;
	s28 =	simm.s32 $0x2900  }
0x5: {  	s29 =	simm.s32 $0x2780;
	s30 =	simm.s32 $0x1;
	s31 =	simm.s32 $0x4  }
0x6: {  	s0 =	sand.u32 $0x1, s0;
	[smem:$0x7FF] =	sst s5;
	s13 =	sadd.s32 $0xDE00, s2  }
0x7: {  	s8 =	smul.u32 $0x4E000, s9;
	s14 =	sadd.s32 $0x3EE00, s2;
	s16 =	sadd.s32 $0x66000, s2  }
0x8: {  	s17 =	sshll.u32 s9, $0x6;
	s18 =	smul.u32 $0x2710, s9;
	s10 =	sadd.s32 $0x2700, s10  }
0x9: {  	s19 =	smul.u32 $0x2700, s9;
	p1 =	sne.s32 s9, $0xF;
	p2 =	seq.s32 s9, $0xF  }
0xa: {  	s3 =	sshll.u32 s0, $0x4;
	_ =	strace $0x8000004A;
	s6 =	ssub.s32 $0x2, s0  }
0xb: {  	s12 =	smul.u32 $0x27100, s0;
	p0 =	seq.s32 s0, $0x1;
	[dreg:$0x5] =	wrdreg s14  }
0xc: {  	[dreg:$0x6] =	wrdreg s16;
	s3 =	sor.u32 s9, s3;
	s7 =	sshrl.u32 s6, $0x1  }
0xd: {  	s15 =	sshrl.u32 s8, $0x2;
	s8 =	sor.u32 $0x1C0A, s17;
	s17 =	sadd.s32 $0x138000, s4  }
0xe: {  	s21 =	sadd.s32 s14, s19;
	s22 =	sadd.s32 s16, s19;
	s19 =	simm.s32 $0xA  }
0xf: {  	s3 =	smul.u32 $0x2710, s3;
	s26 =	ssub.s32 s6, s7;
	[dreg:$0x8] =	wrdreg s21  }
0x10: {  	s15 =	sadd.s32 s15, s4;
	s20 =	sadd.s32 s18, s12;
	[dreg:$0x9] =	wrdreg s22  }
0x11: {  	[dreg:$0x7] =	wrdreg s17;
	s23 =	sadd.s32 $0xA0, s20;
	s14 =	smax.u32 s26, $0x1  }
0x12: {  	s25 =	sadd.s32 $0x50, s20;
	s0 =	sshrl.u32 s20, $0x3;
	s18 =	sshrl.u32 s15, $0x3  }
.Ltmp0:
0x13: {  	s20 =	sshrl.u32 @!p1 s17, $0x3;
	s3 =	sshrl.u32 s3, $0x3;
	(pc) =	sbr.rel .LBB2_1-.Ltmp0, $4  }
0x14: {  	s24 =	sshrl.u32 s23, $0x3;
	s26 =	sshrl.u32 s25, $0x3;
	s6 =	sadd.s32 s0, s13  }
0x15: {  	s23 =	simm.s32 $0x50;
	s25 =	simm.s32 $0x5100;
	s3 =	sadd.s32 s3, s2  }
0x16: {  	s12 =	sadd.s32 s24, s13;
	s7 =	sadd.s32 s26, s13;
	s24 =	simm.s32 $0x2800  }
0x17: {  	s26 =	simm.s32 $0x8;
	s2 =	simm.s32 $0x0;
	s11 =	sadd.s32 $0x4000, s3  }
.LBB2_7:
0x18: {  	s3 =	rddreg [dreg:$0x7]  }
0x19: {  	s0 =	sadd.s32 $0x27000, s0;
	s3 =	sshrl.u32 s3, $0x3  }
0x1a: {  	[hbm:s0], [sflag:s8] =	dma.local [spmem:s3], $0x100  }
0x1b: {  	_ =	swait.ge [sflag:s19], $0x100  }
0x1c: {  	[sflag:s19] =	ssyncset.done $0x0  }
0x1d: {  	[sflag:s19] =	ssyncadd.s32 $0xFFFFFF00  }
.LBB2_8:
0x1e: {  	s2 =	sadd.s32 $0x1, s2  }
0x1f: {  	p3 =	sne.s32 s2, s14  }
.Ltmp1:
0x20: {  	_ = 	snop;
	(pc) =	sbr.rel @!p3 .LBB2_9-.Ltmp1, $1  }
0x21: {  	_ =	sdelay $0x3  }
.LBB2_1:
0x22: {  	s0 =	rddreg [dreg:$0x2]  }
0x23: {  	[spmem:s18], [sflag:s8] =	dma.local [hbm:s0], $0x2700  }
0x24: {  	_ =	swait.ge [sflag:s19], $0x2700  }
0x25: {  	[sflag:s19] =	ssyncset.done $0x0  }
0x26: {  	s0 =	simm.s32 @!p1 $0xA;
	[sflag:s19] =	ssyncadd.s32 $0xFFFFD900  }
0x27: {  	[spmem:s20], [sflag:s8] =	dma.local @!p1 [hbm:s10], $0x100  }
0x28: {  	_ =	swait.ge @!p1 [sflag:s0], $0x100  }
0x29: {  	[sflag:s0] =	ssyncset.done @!p1 $0x0  }
0x2a: {  	[sflag:s0] =	ssyncadd.s32 @!p1 $0xFFFFFF00  }
0x2b: {  	[tilespmem:s5], [sflag:$0xA] =	stream.linear.gather [hbm4b:s11+s5], $0x2710, $0x38;
	[tilespmem:$0x1D980] =	vst v63  }
0x2c: {  	_ =	swait.ge [sflag:s19], $0x2710  }
0x2d: {  	s3 =	simm.s32 $0xFFFFFFFD;
	s17 =	smov.u32 s6;
	[sflag:s19] =	ssyncset.done $0x0  }
0x2e: {  	s16 =	smov.u32 s7;
	s15 =	smov.u32 s12;
	[sflag:s19] =	ssyncadd.s32 $0xFFFFD8F0  }
0x2f: {  	s13 =	simm.s32 $0x0;
	s0 =	simm.s32 $0xA0;
	[bflag:$0x0] =	sbarrier.arrive $0xFFFF  }
.LBB2_2:
0x30: {  	p4 =	seq.s32 s3, $0x7B  }
.Ltmp2:
0x31: {  	p3 =	sgt.u32 s3, $0x7C;
	(pc) =	sbr.rel @p4 .LBB2_10-.Ltmp2, $4  }
0x32: {  	s9 =	simm.s32 @!p3 $0x7  }
0x33: {  	_ =	swait.ge @!p3 [sflag:s9], $0x2800  }
0x34: {  	[sflag:s9] =	ssyncset.done @!p3 $0x0  }
0x35: {  	[sflag:s9] =	ssyncadd.s32 @!p3 $0xFFFFD800  }
0x36: {  	s9 =	sadd.s32 $0xFFFFFF60, s0;
	s22 =	sadd.s32 $0x1, s3  }
0x37: {  	[tilespmem:s28], [sflag:$0x1] =	stream.indirect.gather [hbm4b:s1+s23], $0x80, s9, s23, $0xb8;
	[tilespmem:$0x1D980] =	vst v63  }
0x38: {  	p3 =	sgt.u32 s22, $0x7C  }
0x39: {  	s9 =	simm.s32 @!p3 $0x2  }
0x3a: {  	[tilespmem:s29], [sflag:$0x4] =	stream.linear.gather [hbm4b:s17+s5], $0x50, $0x38;
	[tilespmem:$0x1D980] =	vst v63  }
0x3b: {  	_ =	swait.ge @!p3 [sflag:s9], $0x2800  }
0x3c: {  	[sflag:s9] =	ssyncset.done @!p3 $0x0  }
0x3d: {  	[sflag:s9] =	ssyncadd.s32 @!p3 $0xFFFFD800;
	s9 =	simm.s32 @!p3 $0x5  }
0x3e: {  	_ =	swait.ge @!p3 [sflag:s9], $0x50  }
0x3f: {  	s21 =	simm.s32 @!p3 $0x2800;
	[sflag:s9] =	ssyncset.done @!p3 $0x0  }
0x40: {  	s22 =	simm.s32 @!p3 $0x5100;
	[sflag:s9] =	ssyncadd.s32 @!p3 $0xFFFFFFB0;
	s9 =	simm.s32 @!p3 $0x50  }
0x41: {  	[spmem:s4] =	stream.indirect.scatter.add.f32 @!p3 [tilespmem:s22], [sflag:$0x8], $0x80, s21, s9, $0xb8;
	[tilespmem:$0x1D980] =	vst v63  }
0x42: {  	s9 =	simm.s32 @!p3 $0x8  }
0x43: {  	_ =	swait.ge @!p3 [sflag:s9], $0x2800  }
0x44: {  	s22 =	sadd.s32 $0x2, s3;
	[sflag:s9] =	ssyncset.done @!p3 $0x0  }
0x45: {  	s21 =	sadd.s32 $0xFFFFFFB0, s0;
	[sflag:s9] =	ssyncadd.s32 @!p3 $0xFFFFD800;
	p3 =	sgt.u32 s22, $0x7C  }
0x46: {  	[tilespmem:s25], [sflag:$0x2] =	stream.indirect.gather [hbm4b:s1+s23], $0x80, s21, s23, $0xb8;
	[tilespmem:$0x1D980] =	vst v63  }
0x47: {  	s9 =	simm.s32 @!p3 $0x3  }
0x48: {  	[tilespmem:s24], [sflag:$0x5] =	stream.linear.gather [hbm4b:s16+s5], $0x50, $0x38;
	[tilespmem:$0x1D980] =	vst v63  }
0x49: {  	_ =	swait.ge @!p3 [sflag:s9], $0x2800  }
0x4a: {  	[sflag:s9] =	ssyncset.done @!p3 $0x0  }
0x4b: {  	[sflag:s9] =	ssyncadd.s32 @!p3 $0xFFFFD800;
	s9 =	simm.s32 @!p3 $0x6  }
0x4c: {  	_ =	swait.ge @!p3 [sflag:s9], $0x50  }
0x4d: {  	s21 =	simm.s32 @!p3 $0x2880;
	[sflag:s9] =	ssyncset.done @!p3 $0x0  }
0x4e: {  	s22 =	simm.s32 @!p3 $0x7900;
	[sflag:s9] =	ssyncadd.s32 @!p3 $0xFFFFFFB0;
	s9 =	simm.s32 @!p3 $0x50  }
0x4f: {  	[spmem:s4] =	stream.indirect.scatter.add.f32 @!p3 [tilespmem:s22], [sflag:$0x9], $0x80, s21, s9, $0xb8;
	[tilespmem:$0x1D980] =	vst v63  }
0x50: {  	s9 =	simm.s32 @!p3 $0x9  }
0x51: {  	_ =	swait.ge @!p3 [sflag:s9], $0x2800  }
0x52: {  	p4 =	slt.u32 s13, $0x29;
	[sflag:s9] =	ssyncset.done @!p3 $0x0  }
0x53: {  	s21 =	simm.s32 @p4 $0x7900;
	[sflag:s9] =	ssyncadd.s32 @!p3 $0xFFFFD800;
	s9 =	simm.s32 @p4 $0x50  }
0x54: {  	[tilespmem:s21], [sflag:$0x3] =	stream.indirect.gather @p4 [hbm4b:s1+s9], $0x80, s0, s9, $0xb8;
	[tilespmem:$0x1D980] =	vst v63  }
0x55: {  	s9 =	simm.s32 @p4 $0x0;
	s21 =	simm.s32 @p4 $0x2880  }
0x56: {  	[tilespmem:s21], [sflag:$0x6] =	stream.linear.gather @p4 [hbm4b:s15+s9], $0x50, $0x38;
	[tilespmem:$0x1D980] =	vst v63  }
0x57: {  	s3 =	sadd.s32 $0x3, s3;
	_ =	swait.ge [sflag:s30], $0x2800  }
0x58: {  	p3 =	sne.s32 s3, $0x7E;
	[sflag:s30] =	ssyncset.done $0x0  }
.Ltmp3:
0x59: {  	[sflag:s30] =	ssyncadd.s32 $0xFFFFD800;
	(pc) =	sbr.rel @p3 .LBB2_2-.Ltmp3, $4  }
.Ltmp4:
0x5a: {  	s13 =	sadd.s32 $0x1, s13;
	_ =	swait.ge [sflag:s31], $0x50;
	(pc) =	sbr.rel @!p3 .LBB2_4-.Ltmp4, $4  }
0x5b: {  	s17 =	sadd.s32 $0x1E, s17;
	s16 =	sadd.s32 $0x1E, s16;
	[sflag:s31] =	ssyncset.done $0x0  }
0x5c: {  	s0 =	sadd.s32 $0xF0, s0;
	s15 =	sadd.s32 $0x1E, s15;
	[sflag:s31] =	ssyncadd.s32 $0xFFFFFFB0  }
0x5d: {  	[spmem:s4] =	stream.indirect.scatter.add.f32 [tilespmem:s28], [sflag:$0x7], $0x80, s29, s23, $0xb8;
	[tilespmem:$0x1D980] =	vst v63  }
0x5e: {  	_ = 	snop  }
.LBB2_10:
0x5f: {  	s0 =	simm.s32 $0x2  }
0x60: {  	_ =	swait.ge [sflag:s0], $0x2800  }
0x61: {  	[sflag:s0] =	ssyncset.done $0x0  }
0x62: {  	s22 =	simm.s32 $0x5;
	[sflag:s0] =	ssyncadd.s32 $0xFFFFD800  }
0x63: {  	_ =	swait.ge [sflag:s22], $0x50  }
0x64: {  	[sflag:s22] =	ssyncset.done $0x0  }
0x65: {  	[sflag:s22] =	ssyncadd.s32 $0xFFFFFFB0  }
0x66: {  	[spmem:s4] =	stream.indirect.scatter.add.f32 [tilespmem:s25], [sflag:$0x8], $0x80, s24, s23, $0xb8;
	[tilespmem:$0x1D980] =	vst v63  }
0x67: {  	_ =	swait.ge [sflag:s26], $0x2800  }
0x68: {  	[sflag:s26] =	ssyncset.done $0x0  }
0x69: {  	[sflag:s26] =	ssyncadd.s32 $0xFFFFD800  }
.LBB2_4:
.Ltmp5:
0x6a: {  	(pc) =	sbr.rel @!p0 .LBB2_5-.Ltmp5, $2  }
0x6b: {  	_ =	sdelay $0x1  }
0x6c: {  	[bflag:$0x0] =	sbarrier.arrive $0xFFFF;
	_ =	sdelay $0x1  }
0x6d: {  	s0 =	rddreg [dreg:$0x9]  }
0x6e: {  	[hbm:s0], [sflag:s8] =	dma.local [spmem:s18], $0x2700  }
.Ltmp6:
0x6f: {  	_ = 	snop;
	(pc) =	sbr.rel @p1 .LBB2_8-.Ltmp6, $4  }
.Ltmp7:
0x70: {  	_ = 	snop;
	(pc) =	sbr.rel @!p1 .LBB2_7-.Ltmp7, $4  }
0x71: {  	_ =	swait.ge [sflag:s19], $0x2700  }
0x72: {  	[sflag:s19] =	ssyncset.done $0x0  }
0x73: {  	s0 =	rddreg [dreg:$0x6];
	[sflag:s19] =	ssyncadd.s32 $0xFFFFD900  }
0x74: {  	_ = 	snop  }
.LBB2_5:
0x75: {  	s0 =	rddreg [dreg:$0x8]  }
0x76: {  	[hbm:s0], [sflag:s8] =	dma.local [spmem:s18], $0x2700  }
.Ltmp8:
0x77: {  	_ = 	snop;
	(pc) =	sbr.rel @p2 .LBB2_7-.Ltmp8, $4  }
.Ltmp9:
0x78: {  	_ = 	snop;
	(pc) =	sbr.rel @!p2 .LBB2_8-.Ltmp9, $4  }
0x79: {  	_ =	swait.ge [sflag:s19], $0x2700  }
0x7a: {  	[sflag:s19] =	ssyncset.done $0x0  }
0x7b: {  	s0 =	rddreg [dreg:$0x5];
	[sflag:s19] =	ssyncadd.s32 $0xFFFFD900  }
0x7c: {  	_ = 	snop  }
.LBB2_9:
0x7d: {  	_ =	sfence.sel $0x180000  }
0x7e: {  	[bflag:$0x0] =	sbarrier.arrive $0xFFFF  }
0x7f: {  	_ =	strace $0x9000004A  }
0x80: {  	s0 =	stileid.u32;
	[bflag:$0x2] =	sbarrier.arrive $0xFFFF  }
0x81: {  	p0 =	sne.s32 s0, $0x0;
	s0 =	rddreg [dreg:$0x4]  }
0x82: {  	s0 =	sadd.s32 @!p0 $0x100000, s0  }
0x83: {  	[sflag:s0] =	ssyncadd.tile.s32 @!p0 $0x1;
	_ =	shalt  }
.Lfunc_end2:
_tile_overlayer_lowered:
.L_overlay_start_2:
0x84: {  	(tag) =	ssettag $0x2  }
0x85: {  	s0 =	rddreg [dreg:$0x0];
	s2 =	stileid.u32  }
0x86: {  	s1 =	rddreg [dreg:$0x1];
	p0 =	sne.s32 s2, $0x0  }
0x87: {  	s3 =	rddreg [dreg:$0x2];
	[bflag:$0x3] =	sbarrier.arrive $0xFFFF;
	s2 =	simm.s32 @!p0 $0x1C0A  }
0x88: {  	[timem:s3], [sflag:s2] =	dma.local @!p0 [hbm:s0], s1  }
0x89: {  	s0 =	simm.s32 @!p0 $0xA  }
0x8a: {  	_ =	swait.ge @!p0 [sflag:s0], s1  }
0x8b: {  	s1 =	ssub.s32 @!p0 $0x0, s1;
	[sflag:s0] =	ssyncset.done @!p0 $0x0  }
0x8c: {  	[sflag:s0] =	ssyncadd.s32 @!p0 s1  }
0x8d: {  	[bflag:$0x3] =	sbarrier.arrive $0xFFFF  }
0x8e: {  	_ =	shalt  }

// kernel: kernel.15.cloned.1.call-start
scs
__scs_entry_jumppad:
0x0: {  	(pc) =	sbr.rel $0x88, $3  }
0x1: {  	(tag) =	ssettag $0x0;
	lr =	simm.s32 $0x1  }
0x2: {  	[smem:$0x3F93] =	sst lr;
	_ =	strace $0xD0000000  }
0x3: {  	_ = 	snop  }
0x4: {  	_ = 	snop  }
0x5: {  	_ = 	snop  }
0x6: {  	_ = 	snop  }
0x7: {  	_ = 	snop  }
__scs_overlays_trampoline_lowered:
0x8: {  	[smem:$0x3FA2] =	sst s0  }
0x9: {  	[smem:$0x3FA3] =	sst s1  }
0xa: {  	[smem:$0x3FA4] =	sst s2  }
0xb: {  	[smem:$0x3FA5] =	sst s3  }
0xc: {  	[smem:$0x3FA6] =	sst s4  }
0xd: {  	[smem:$0x3FA7] =	sst s5  }
0xe: {  	[smem:$0x3FA8] =	sst s6  }
0xf: {  	[smem:$0x3FA9] =	sst s7  }
0x10: {  	[smem:$0x3FAA] =	sst s8  }
0x11: {  	[smem:$0x3FAB] =	sst s9;
	s0 =	simm.s32 @!p0 $0x0  }
0x12: {  	s1 =	sld [smem:$0x3F91];
	s0 =	simm.s32 @p0 $0x1  }
0x13: {  	[smem:$0x3FAC] =	sst s0;
	s0 =	simm.s32 @!p1 $0x0  }
0x14: {  	s2 =	sld [smem:$0x3F90];
	s0 =	simm.s32 @p1 $0x1  }
0x15: {  	[smem:$0x3FAD] =	sst s0;
	s0 =	simm.s32 @!p2 $0x0  }
0x16: {  	s3 =	sld [smem:$0x3FDB];
	s0 =	simm.s32 @p2 $0x1  }
0x17: {  	s4 =	simm.s32 $0x1BF5;
	[smem:$0x3FAF] =	sst s0  }
0x18: {  	s0 =	sld [smem:$0x3F92];
	_ =	swait.ge [sflag:s4], $0x0  }
0x19: {  	s7 =	sld [smem:$0x3F93]  }
0x1a: {  	s8 =	sadd.s32 $0xFFFFE003, lr  }
0x1b: {  	s9 =	sadd.s32 $0xFFFFFEF7, lr;
	s5 =	simm.s32 $0xFFFFFFFF;
	p2 =	slt.u32 s8, $0xFFFFF086  }
0x1c: {  	p1 =	slt.u32 s9, $0xF7A;
	s5 =	simm.s32 @!p2 $0x0  }
0x1d: {  	s5 =	simm.s32 @p1 $0x1;
	p0 =	seq.s32 s7, s2  }
0x1e: {  	s7 =	smul.u32 @!p0 $0xF7A, s2;
	p2 =	seq.s32 @!p0 s5, $0x0  }
0x1f: {  	s9 =	smul.u32 $0xF7A, s1;
	s8 =	simm.s32 @!p0 $0x1BF5;
	p2 =	por !p2, p0  }
0x20: {  	[sflag:s8] =	ssyncset.s32 @!p0 $0xFFFFF086;
	s6 =	sadd.s32 @!p0 s3, s7;
	s7 =	simm.s32 @!p0 $0x108  }
0x21: {  	s3 =	sadd.s32 s3, s9;
	s6 =	sadd.s32 @!p0 $0x88, s6;
	s7 =	simm.s32 @p2 $0x1082  }
0x22: {  	[simem:s7], [sflag:s8] =	dma.local @!p0 [hbm:s6], $0xF7A  }
0x23: {  	s9 =	sor.u32 $0xD0000000, s2;
	s6 =	simm.s32 $0x108;
	_ =	swait.ge @!p0 [sflag:s8], $0x0  }
0x24: {  	s3 =	sadd.s32 $0x88, s3;
	s6 =	simm.s32 @!p1 $0x1082;
	[sflag:s4] =	ssyncset.s32 $0xFFFFF086  }
0x25: {  	[simem:s6], [sflag:s4] =	dma.local [hbm:s3], $0xF7A  }
0x26: {  	[smem:$0x3F93] =	sst s1;
	(tag) =	ssettag s2;
	_ =	strace s9  }
0x27: {  	s1 =	sld [smem:$0x3FA3]  }
0x28: {  	s2 =	sld [smem:$0x3FA4]  }
0x29: {  	s4 =	sld [smem:$0x3FA6]  }
0x2a: {  	p0 =	seq.s32 s5, $0x0;
	s5 =	sld [smem:$0x3FA7]  }
0x2b: {  	s6 =	sld [smem:$0x3FA8]  }
0x2c: {  	s7 =	sld [smem:$0x3FA9]  }
0x2d: {  	s3 =	simm.s32 $0x108;
	s8 =	sld [smem:$0x3FAA]  }
0x2e: {  	s3 =	simm.s32 @!p0 $0x1082;
	s9 =	sld [smem:$0x3FAB]  }
0x2f: {  	lr =	sadd.s32 s0, s3;
	s0 =	sld [smem:$0x3FA2]  }
0x30: {  	s3 =	sld [smem:$0x3FA5]  }
0x31: {  	[smem:$0x3FAE] =	sst s10  }
0x32: {  	s10 =	sld [smem:$0x3FAC];
	_ =	sdelay $0x3  }
0x33: {  	p0 =	seq.s32 s10, $0x1;
	s10 =	sld [smem:$0x3FAE];
	_ =	sdelay $0x3  }
0x34: {  	[smem:$0x3FAE] =	sst s10  }
0x35: {  	s10 =	sld [smem:$0x3FAD];
	_ =	sdelay $0x3  }
0x36: {  	p1 =	seq.s32 s10, $0x1;
	s10 =	sld [smem:$0x3FAE];
	_ =	sdelay $0x3  }
0x37: {  	[smem:$0x3FAE] =	sst s10  }
0x38: {  	s10 =	sld [smem:$0x3FAF]  }
0x39: {  	_ = 	snop;
	(pc) =	sbr.ind lr, $3  }
0x3a: {  	_ = 	snop  }
0x3b: {  	_ = 	snop  }
0x3c: {  	p2 =	seq.s32 s10, $0x1;
	s10 =	sld [smem:$0x3FAE]  }
0x3d: {  	_ =	shalt  }
0x3e: {  	_ =	shalt  }
0x3f: {  	_ =	shalt  }
0x40: {  	_ =	shalt  }
0x41: {  	_ =	shalt  }
0x42: {  	_ =	shalt  }
0x43: {  	_ =	shalt  }
0x44: {  	_ =	shalt  }
0x45: {  	_ =	shalt  }
0x46: {  	_ =	shalt  }
0x47: {  	_ =	shalt  }
0x48: {  	_ =	shalt  }
0x49: {  	_ =	shalt  }
0x4a: {  	_ =	shalt  }
0x4b: {  	_ =	shalt  }
0x4c: {  	_ =	shalt  }
0x4d: {  	_ =	shalt  }
0x4e: {  	_ =	shalt  }
0x4f: {  	_ =	shalt  }
0x50: {  	_ =	shalt  }
0x51: {  	_ =	shalt  }
0x52: {  	_ =	shalt  }
0x53: {  	_ =	shalt  }
0x54: {  	_ =	shalt  }
0x55: {  	_ =	shalt  }
0x56: {  	_ =	shalt  }
0x57: {  	_ =	shalt  }
0x58: {  	_ =	shalt  }
0x59: {  	_ =	shalt  }
0x5a: {  	_ =	shalt  }
0x5b: {  	_ =	shalt  }
0x5c: {  	_ =	shalt  }
0x5d: {  	_ =	shalt  }
0x5e: {  	_ =	shalt  }
0x5f: {  	_ =	shalt  }
0x60: {  	_ =	shalt  }
0x61: {  	_ =	shalt  }
0x62: {  	_ =	shalt  }
0x63: {  	_ =	shalt  }
0x64: {  	_ =	shalt  }
0x65: {  	_ =	shalt  }
0x66: {  	_ =	shalt  }
0x67: {  	_ =	shalt  }
0x68: {  	_ =	shalt  }
0x69: {  	_ =	shalt  }
0x6a: {  	_ =	shalt  }
0x6b: {  	_ =	shalt  }
0x6c: {  	_ =	shalt  }
0x6d: {  	_ =	shalt  }
0x6e: {  	_ =	shalt  }
0x6f: {  	_ =	shalt  }
0x70: {  	_ =	shalt  }
0x71: {  	_ =	shalt  }
0x72: {  	_ =	shalt  }
0x73: {  	_ =	shalt  }
0x74: {  	_ =	shalt  }
0x75: {  	_ =	shalt  }
0x76: {  	_ =	shalt  }
0x77: {  	_ =	shalt  }
0x78: {  	_ =	shalt  }
0x79: {  	_ =	shalt  }
0x7a: {  	_ =	shalt  }
0x7b: {  	_ =	shalt  }
0x7c: {  	_ =	shalt  }
0x7d: {  	_ =	shalt  }
0x7e: {  	_ =	shalt  }
0x7f: {  	_ =	shalt  }
0x80: {  	_ =	shalt  }
0x81: {  	_ =	shalt  }
0x82: {  	_ =	shalt  }
0x83: {  	_ =	shalt  }
0x84: {  	_ =	shalt  }
0x85: {  	_ =	shalt  }
0x86: {  	_ =	shalt  }
0x87: {  	_ =	shalt  }
.Lfunc_end0:
.L_simem_size_0:
called_computation.2_lowered:
.L_overlay_start_0:
0x88: {  	s2 =	sld [smem:$0x3FD9]  }
0x89: {  	s3 =	sld [smem:$0x3FFE];
	_ =	sdelay $0x1  }
0x8a: {  	s1 =	srdreg.scid  }
0x8b: {  	s0 =	sand.u32 $0x1, s1  }
0x8c: {  	s14 =	sshll.u32 s0, $0xA;
	s2 =	sadd.s32 s3, s2  }
0x8d: {  	s2 =	sadd.s32 s2, s14  }
0x8e: {  	[smem:$0x3FBA] =	sst s2  }
0x8f: {  	_ = 	snop  }
0x90: {  	s2 =	sld [smem:$0x3FD0];
	_ =	sdelay $0x2  }
0x91: {  	s15 =	simm.s32 $0xA;
	s4 =	simm.s32 $0x10  }
0x92: {  	[smem:s4], [sflag:s15] =	dma.local [hbm:s2], $0x1  }
0x93: {  	_ =	swait.eq [sflag:s15], $0x1  }
0x94: {  	[sflag:s15] =	ssyncset.done $0x0  }
0x95: {  	s16 =	sld [smem:$0x11];
	[sflag:s15] =	ssyncadd.s32 $0xFFFFFFFF  }
0x96: {  	s17 =	sld [smem:$0x12];
	(tm) =	ssettm $0x1  }
0x97: {  	s18 =	sld [smem:$0x3FFB];
	_ =	sdelay $0x3  }
0x98: {  	_ =	strace s18  }
0x99: {  	s4 =	sld [smem:$0x3FFC];
	_ =	sdelay $0x3  }
0x9a: {  	_ =	strace s4  }
0x9b: {  	s4 =	sld [smem:$0x3FFD];
	_ =	sdelay $0x3  }
0x9c: {  	_ =	strace s4  }
0x9d: {  	_ =	strace $0x8FFFFFFF  }
0x9e: {  	s19 =	sld [smem:$0x3FDB];
	_ =	sdelay $0x1  }
0x9f: {  	s5 =	simm.s32 $_scs_section_size  }
0xa0: {  	s6 =	simm.s32 $_size__tile_overlayer_lowered;
	s7 =	simm.s32 $_tile_overlayer_lowered  }
0xa1: {  	s22 =	simm.s32 $0x1BFF;
	s21 =	sshll.u32 s7, $0x1;
	s4 =	sadd.s32 s5, s19  }
0xa2: {  	s8 =	simm.s32 $0x0;
	s20 =	sshll.u32 s6, $0x1;
	s6 =	sadd.s32 s21, s4  }
0xa3: {  	[timem:s8], [sflag:s22] =	dma.local [hbm:s6], s20  }
0xa4: {  	_ =	swait.ge [sflag:s22], s20  }
0xa5: {  	s5 =	ssub.s32 $0x0, s20;
	[sflag:s22] =	ssyncset.done $0x0  }
0xa6: {  	[sflag:s22] =	ssyncadd.s32 s5;
	_ =	sdelay $0x1  }
0xa7: {  	s23 =	simm.s32 $0x1B8B  }
0xa8: {  	_ =	swait.ge [sflag:s23], $0x1  }
0xa9: {  	[sflag:s23] =	ssyncset.done $0x0  }
0xaa: {  	s25 =	simm.s32 $0x1B8E;
	s24 =	sld [smem:$0x3FFE];
	[sflag:s23] =	ssyncadd.s32 $0xFFFFFFFF  }
0xab: {  	s26 =	simm.s32 $execute0_lowered;
	[smem:$0x3FD2] =	sst s25  }
0xac: {  	s6 =	sshll.u32 s26, $0x1;
	_ =	strace $0x8000004C;
	[dreg:$0x1] =	wrdreg $0xFFFFFFFF  }
0xad: {  	s28 =	simm.s32 $_size_execute0_lowered;
	s4 =	sadd.s32 s4, s6;
	[dreg:$0x0] =	wrdreg $0x0  }
0xae: {  	s6 =	sshll.u32 s28, $0x1;
	[dreg:$0x2] =	wrdreg s4  }
0xaf: {  	[dreg:$0x3] =	wrdreg s6  }
0xb0: {  	[dreg:$0x4] =	wrdreg $0xC0  }
0xb1: {  	_ =	task [dreg:s8], $0x5FFFF  }
0xb2: {  	[dreg:$0x1] =	wrdreg $0xFFFFFFFF  }
0xb3: {  	[dreg:$0x0] =	wrdreg $0x60  }
0xb4: {  	[dreg:$0x2] =	wrdreg s24  }
0xb5: {  	[dreg:$0x3] =	wrdreg s16  }
0xb6: {  	[dreg:$0x4] =	wrdreg s17  }
0xb7: {  	[dreg:$0x5] =	wrdreg $0xA1000  }
0xb8: {  	[dreg:$0x6] =	wrdreg $0x9  }
0xb9: {  	_ =	task.clear_ibuf [dreg:s8], $0x7FFFF;
	_ =	strace $0x9000004C  }
0xba: {  	s29 =	simm.s32 $0x9;
	_ =	strace $0x8000004E  }
0xbb: {  	_ =	swait.ge [sflag:s29], $0x1  }
0xbc: {  	[sflag:s29] =	ssyncadd.s32 $0xFFFFFFFF  }
0xbd: {  	_ =	strace $0x9000004E  }
0xbe: {  	_ =	sfence  }
0xbf: {  	s30 =	sld [smem:$0x0];
	_ =	sdelay $0x2  }
0xc0: {  	s31 =	sshll.u32 s1, $0xD;
	s1 =	sshrl.u32 s1, $0x2  }
0xc1: {  	s3 =	sand.u32 $0x4000, s31;
	s1 =	sadd.s32 s1, s30  }
0xc2: {  	s0 =	sor.u32 s3, s0;
	s1 =	sshll.u32 s1, $0x11  }
0xc3: {  	s0 =	sor.u32 s1, s0  }
0xc4: {  	s0 =	sadd.s32 $0x8F2B, s0  }
0xc5: {  	[sflag:s0] =	ssyncadd.remote.s32 $0x1  }
0xc6: {  	_ =	sfence.sel $0xFFFF  }
0xc7: {  	[dreg:$0x0] =	wrdreg $0xFFFFFFFF;
	(pc) =	sbr.abs _section_cstart, $3  }
0xc8: {  	[dreg:$0x1] =	wrdreg $0xFFFFFFFF  }
0xc9: {  	_ =	task.clear_ibuf [dreg:s8], $0x2FFFF;
	_ =	strace $0x9FFFFFFF  }
0xca: {  	(tm) =	ssettm $0x7FFFFFFF  }
0xcb: {  	_ =	shalt  }
tec
execute0_lowered:
.L_overlay_start_1:
0x0: {  	(tag) =	ssettag $0x1  }
0x1: {  	s0 =	rddreg [dreg:$0x0]  }
0x2: {  	s9 =	rddreg [dreg:$0x1]  }
0x3: {  	s1 =	srdreg.scid;
	s16 =	rddreg [dreg:$0x2]  }
0x4: {  	s4 =	rddreg [dreg:$0x3];
	s15 =	stileid.u32;
	s5 =	simm.s32 $0x0  }
0x5: {  	s28 =	simm.s32 $0x2900;
	s29 =	simm.s32 $0x2780;
	s30 =	simm.s32 $0x1  }
0x6: {  	s31 =	simm.s32 $0x4;
	s1 =	sand.u32 $0x1, s1;
	[smem:$0x7FF] =	sst s5  }
0x7: {  	s6 =	sadd.s32 $0x3EE00, s0;
	s8 =	smul.u32 $0x4E000, s15;
	s13 =	sadd.s32 $0xDE00, s0  }
0x8: {  	s17 =	sadd.s32 $0x66000, s0;
	s14 =	sshll.u32 s15, $0x6;
	s18 =	smul.u32 $0x2710, s15  }
0x9: {  	s20 =	sadd.s32 $0x138000, s4;
	s10 =	sadd.s32 $0x2700, s9;
	p1 =	sne.s32 s15, $0xF  }
0xa: {  	p2 =	seq.s32 s15, $0xF;
	s2 =	sshll.u32 s1, $0x4;
	_ =	strace $0x8000004D  }
0xb: {  	s3 =	ssub.s32 $0x2, s1;
	s12 =	smul.u32 $0x27100, s1;
	[dreg:$0x5] =	wrdreg s17  }
0xc: {  	p0 =	seq.s32 s1, $0x1;
	[dreg:$0x6] =	wrdreg s20;
	s2 =	sor.u32 s15, s2  }
0xd: {  	s11 =	sshrl.u32 s8, $0x2;
	s8 =	sor.u32 $0x1C0A, s14;
	s14 =	smul.u32 $0x2700, s15  }
0xe: {  	s20 =	sshrl.u32 @!p1 s20, $0x3;
	s7 =	sshrl.u32 s3, $0x1;
	s2 =	smul.u32 $0x2710, s2  }
0xf: {  	s26 =	ssub.s32 s3, s7;
	s3 =	sadd.s32 s11, s4;
	s19 =	sadd.s32 s18, s12  }
0x10: {  	s21 =	sadd.s32 s16, s14;
	s22 =	sadd.s32 s17, s14;
	s23 =	sadd.s32 $0xA0, s19  }
0x11: {  	s14 =	smax.u32 s26, $0x1;
	s25 =	sadd.s32 $0x50, s19;
	s1 =	sshrl.u32 s19, $0x3  }
0x12: {  	s18 =	sshrl.u32 s3, $0x3;
	s19 =	simm.s32 $0xA;
	[dreg:$0x7] =	wrdreg s21  }
.Ltmp0:
0x13: {  	s2 =	sshrl.u32 s2, $0x3;
	[dreg:$0x8] =	wrdreg s22;
	(pc) =	sbr.rel .LBB2_1-.Ltmp0, $4  }
0x14: {  	s24 =	sshrl.u32 s23, $0x3;
	s26 =	sshrl.u32 s25, $0x3;
	s23 =	simm.s32 $0x50  }
0x15: {  	s25 =	simm.s32 $0x5100;
	s2 =	sadd.s32 s2, s0;
	s12 =	sadd.s32 s24, s13  }
0x16: {  	s7 =	sadd.s32 s26, s13;
	s0 =	sadd.s32 s1, s13;
	s24 =	simm.s32 $0x2800  }
0x17: {  	s26 =	simm.s32 $0x8;
	s1 =	simm.s32 $0x0;
	s11 =	sadd.s32 $0x4000, s2  }
.LBB2_7:
0x18: {  	s3 =	rddreg [dreg:$0x6]  }
0x19: {  	s2 =	sadd.s32 $0x27000, s2;
	s3 =	sshrl.u32 s3, $0x3  }
0x1a: {  	[hbm:s2], [sflag:s8] =	dma.local [spmem:s3], $0x100  }
0x1b: {  	_ =	swait.ge [sflag:s19], $0x100  }
0x1c: {  	[sflag:s19] =	ssyncset.done $0x0  }
0x1d: {  	[sflag:s19] =	ssyncadd.s32 $0xFFFFFF00  }
.LBB2_8:
0x1e: {  	s1 =	sadd.s32 $0x1, s1  }
0x1f: {  	p3 =	sne.s32 s1, s14  }
.Ltmp1:
0x20: {  	_ = 	snop;
	(pc) =	sbr.rel @!p3 .LBB2_9-.Ltmp1, $1  }
0x21: {  	_ =	sdelay $0x3  }
.LBB2_1:
0x22: {  	s2 =	rddreg [dreg:$0x1]  }
0x23: {  	[spmem:s18], [sflag:s8] =	dma.local [hbm:s2], $0x2700  }
0x24: {  	_ =	swait.ge [sflag:s19], $0x2700  }
0x25: {  	[sflag:s19] =	ssyncset.done $0x0  }
0x26: {  	s2 =	simm.s32 @!p1 $0xA;
	[sflag:s19] =	ssyncadd.s32 $0xFFFFD900  }
0x27: {  	[spmem:s20], [sflag:s8] =	dma.local @!p1 [hbm:s10], $0x100  }
0x28: {  	_ =	swait.ge @!p1 [sflag:s2], $0x100  }
0x29: {  	[sflag:s2] =	ssyncset.done @!p1 $0x0  }
0x2a: {  	[sflag:s2] =	ssyncadd.s32 @!p1 $0xFFFFFF00  }
0x2b: {  	[tilespmem:s5], [sflag:$0xA] =	stream.linear.gather [hbm4b:s11+s5], $0x2710, $0x38;
	[tilespmem:$0x1D980] =	vst v63  }
0x2c: {  	_ =	swait.ge [sflag:s19], $0x2710  }
0x2d: {  	s3 =	simm.s32 $0xFFFFFFFD;
	s17 =	smov.u32 s0;
	[sflag:s19] =	ssyncset.done $0x0  }
0x2e: {  	s16 =	smov.u32 s7;
	s15 =	smov.u32 s12;
	[sflag:s19] =	ssyncadd.s32 $0xFFFFD8F0  }
0x2f: {  	s13 =	simm.s32 $0x0;
	s2 =	simm.s32 $0xA0;
	[bflag:$0x0] =	sbarrier.arrive $0xFFFF  }
.LBB2_2:
0x30: {  	p4 =	seq.s32 s3, $0x7B  }
.Ltmp2:
0x31: {  	p3 =	sgt.u32 s3, $0x7C;
	(pc) =	sbr.rel @p4 .LBB2_10-.Ltmp2, $4  }
0x32: {  	s9 =	simm.s32 @!p3 $0x7  }
0x33: {  	_ =	swait.ge @!p3 [sflag:s9], $0x2800  }
0x34: {  	[sflag:s9] =	ssyncset.done @!p3 $0x0  }
0x35: {  	[sflag:s9] =	ssyncadd.s32 @!p3 $0xFFFFD800  }
0x36: {  	s9 =	sadd.s32 $0xFFFFFF60, s2;
	s22 =	sadd.s32 $0x1, s3  }
0x37: {  	[tilespmem:s28], [sflag:$0x1] =	stream.indirect.gather [hbm4b:s6+s23], $0x80, s9, s23, $0xb8;
	[tilespmem:$0x1D980] =	vst v63  }
0x38: {  	p3 =	sgt.u32 s22, $0x7C  }
0x39: {  	s9 =	simm.s32 @!p3 $0x2  }
0x3a: {  	[tilespmem:s29], [sflag:$0x4] =	stream.linear.gather [hbm4b:s17+s5], $0x50, $0x38;
	[tilespmem:$0x1D980] =	vst v63  }
0x3b: {  	_ =	swait.ge @!p3 [sflag:s9], $0x2800  }
0x3c: {  	[sflag:s9] =	ssyncset.done @!p3 $0x0  }
0x3d: {  	[sflag:s9] =	ssyncadd.s32 @!p3 $0xFFFFD800;
	s9 =	simm.s32 @!p3 $0x5  }
0x3e: {  	_ =	swait.ge @!p3 [sflag:s9], $0x50  }
0x3f: {  	s21 =	simm.s32 @!p3 $0x2800;
	[sflag:s9] =	ssyncset.done @!p3 $0x0  }
0x40: {  	s22 =	simm.s32 @!p3 $0x5100;
	[sflag:s9] =	ssyncadd.s32 @!p3 $0xFFFFFFB0;
	s9 =	simm.s32 @!p3 $0x50  }
0x41: {  	[spmem:s4] =	stream.indirect.scatter.add.f32 @!p3 [tilespmem:s22], [sflag:$0x8], $0x80, s21, s9, $0xb8;
	[tilespmem:$0x1D980] =	vst v63  }
0x42: {  	s9 =	simm.s32 @!p3 $0x8  }
0x43: {  	_ =	swait.ge @!p3 [sflag:s9], $0x2800  }
0x44: {  	s22 =	sadd.s32 $0x2, s3;
	[sflag:s9] =	ssyncset.done @!p3 $0x0  }
0x45: {  	s21 =	sadd.s32 $0xFFFFFFB0, s2;
	[sflag:s9] =	ssyncadd.s32 @!p3 $0xFFFFD800;
	p3 =	sgt.u32 s22, $0x7C  }
0x46: {  	[tilespmem:s25], [sflag:$0x2] =	stream.indirect.gather [hbm4b:s6+s23], $0x80, s21, s23, $0xb8;
	[tilespmem:$0x1D980] =	vst v63  }
0x47: {  	s9 =	simm.s32 @!p3 $0x3  }
0x48: {  	[tilespmem:s24], [sflag:$0x5] =	stream.linear.gather [hbm4b:s16+s5], $0x50, $0x38;
	[tilespmem:$0x1D980] =	vst v63  }
0x49: {  	_ =	swait.ge @!p3 [sflag:s9], $0x2800  }
0x4a: {  	[sflag:s9] =	ssyncset.done @!p3 $0x0  }
0x4b: {  	[sflag:s9] =	ssyncadd.s32 @!p3 $0xFFFFD800;
	s9 =	simm.s32 @!p3 $0x6  }
0x4c: {  	_ =	swait.ge @!p3 [sflag:s9], $0x50  }
0x4d: {  	s21 =	simm.s32 @!p3 $0x2880;
	[sflag:s9] =	ssyncset.done @!p3 $0x0  }
0x4e: {  	s22 =	simm.s32 @!p3 $0x7900;
	[sflag:s9] =	ssyncadd.s32 @!p3 $0xFFFFFFB0;
	s9 =	simm.s32 @!p3 $0x50  }
0x4f: {  	[spmem:s4] =	stream.indirect.scatter.add.f32 @!p3 [tilespmem:s22], [sflag:$0x9], $0x80, s21, s9, $0xb8;
	[tilespmem:$0x1D980] =	vst v63  }
0x50: {  	s9 =	simm.s32 @!p3 $0x9  }
0x51: {  	_ =	swait.ge @!p3 [sflag:s9], $0x2800  }
0x52: {  	p4 =	slt.u32 s13, $0x29;
	[sflag:s9] =	ssyncset.done @!p3 $0x0  }
0x53: {  	s21 =	simm.s32 @p4 $0x7900;
	[sflag:s9] =	ssyncadd.s32 @!p3 $0xFFFFD800;
	s9 =	simm.s32 @p4 $0x50  }
0x54: {  	[tilespmem:s21], [sflag:$0x3] =	stream.indirect.gather @p4 [hbm4b:s6+s9], $0x80, s2, s9, $0xb8;
	[tilespmem:$0x1D980] =	vst v63  }
0x55: {  	s9 =	simm.s32 @p4 $0x0;
	s21 =	simm.s32 @p4 $0x2880  }
0x56: {  	[tilespmem:s21], [sflag:$0x6] =	stream.linear.gather @p4 [hbm4b:s15+s9], $0x50, $0x38;
	[tilespmem:$0x1D980] =	vst v63  }
0x57: {  	s3 =	sadd.s32 $0x3, s3;
	_ =	swait.ge [sflag:s30], $0x2800  }
0x58: {  	p3 =	sne.s32 s3, $0x7E;
	[sflag:s30] =	ssyncset.done $0x0  }
.Ltmp3:
0x59: {  	[sflag:s30] =	ssyncadd.s32 $0xFFFFD800;
	(pc) =	sbr.rel @p3 .LBB2_2-.Ltmp3, $4  }
.Ltmp4:
0x5a: {  	s13 =	sadd.s32 $0x1, s13;
	_ =	swait.ge [sflag:s31], $0x50;
	(pc) =	sbr.rel @!p3 .LBB2_4-.Ltmp4, $4  }
0x5b: {  	s17 =	sadd.s32 $0x1E, s17;
	s16 =	sadd.s32 $0x1E, s16;
	[sflag:s31] =	ssyncset.done $0x0  }
0x5c: {  	s2 =	sadd.s32 $0xF0, s2;
	s15 =	sadd.s32 $0x1E, s15;
	[sflag:s31] =	ssyncadd.s32 $0xFFFFFFB0  }
0x5d: {  	[spmem:s4] =	stream.indirect.scatter.add.f32 [tilespmem:s28], [sflag:$0x7], $0x80, s29, s23, $0xb8;
	[tilespmem:$0x1D980] =	vst v63  }
0x5e: {  	_ = 	snop  }
.LBB2_10:
0x5f: {  	s2 =	simm.s32 $0x2  }
0x60: {  	_ =	swait.ge [sflag:s2], $0x2800  }
0x61: {  	[sflag:s2] =	ssyncset.done $0x0  }
0x62: {  	s22 =	simm.s32 $0x5;
	[sflag:s2] =	ssyncadd.s32 $0xFFFFD800  }
0x63: {  	_ =	swait.ge [sflag:s22], $0x50  }
0x64: {  	[sflag:s22] =	ssyncset.done $0x0  }
0x65: {  	[sflag:s22] =	ssyncadd.s32 $0xFFFFFFB0  }
0x66: {  	[spmem:s4] =	stream.indirect.scatter.add.f32 [tilespmem:s25], [sflag:$0x8], $0x80, s24, s23, $0xb8;
	[tilespmem:$0x1D980] =	vst v63  }
0x67: {  	_ =	swait.ge [sflag:s26], $0x2800  }
0x68: {  	[sflag:s26] =	ssyncset.done $0x0  }
0x69: {  	[sflag:s26] =	ssyncadd.s32 $0xFFFFD800  }
.LBB2_4:
.Ltmp5:
0x6a: {  	(pc) =	sbr.rel @!p0 .LBB2_5-.Ltmp5, $2  }
0x6b: {  	_ =	sdelay $0x1  }
0x6c: {  	[bflag:$0x0] =	sbarrier.arrive $0xFFFF;
	_ =	sdelay $0x1  }
0x6d: {  	s2 =	rddreg [dreg:$0x8]  }
0x6e: {  	[hbm:s2], [sflag:s8] =	dma.local [spmem:s18], $0x2700  }
.Ltmp6:
0x6f: {  	_ = 	snop;
	(pc) =	sbr.rel @p1 .LBB2_8-.Ltmp6, $4  }
.Ltmp7:
0x70: {  	_ = 	snop;
	(pc) =	sbr.rel @!p1 .LBB2_7-.Ltmp7, $4  }
0x71: {  	_ =	swait.ge [sflag:s19], $0x2700  }
0x72: {  	[sflag:s19] =	ssyncset.done $0x0  }
0x73: {  	s2 =	rddreg [dreg:$0x5];
	[sflag:s19] =	ssyncadd.s32 $0xFFFFD900  }
0x74: {  	_ = 	snop  }
.LBB2_5:
0x75: {  	s2 =	rddreg [dreg:$0x7]  }
0x76: {  	[hbm:s2], [sflag:s8] =	dma.local [spmem:s18], $0x2700  }
.Ltmp8:
0x77: {  	_ = 	snop;
	(pc) =	sbr.rel @p2 .LBB2_7-.Ltmp8, $4  }
.Ltmp9:
0x78: {  	_ =	swait.ge [sflag:s19], $0x2700;
	(pc) =	sbr.rel @!p2 .LBB2_8-.Ltmp9, $4  }
0x79: {  	[sflag:s19] =	ssyncset.done $0x0  }
0x7a: {  	[sflag:s19] =	ssyncadd.s32 $0xFFFFD900  }
0x7b: {  	s2 =	rddreg [dreg:$0x2]  }
0x7c: {  	_ = 	snop  }
.LBB2_9:
0x7d: {  	_ =	sfence.sel $0x180000  }
0x7e: {  	[bflag:$0x0] =	sbarrier.arrive $0xFFFF  }
0x7f: {  	_ =	strace $0x9000004D  }
0x80: {  	s0 =	stileid.u32;
	[bflag:$0x2] =	sbarrier.arrive $0xFFFF  }
0x81: {  	p0 =	sne.s32 s0, $0x0;
	s0 =	rddreg [dreg:$0x4]  }
0x82: {  	s0 =	sadd.s32 @!p0 $0x100000, s0  }
0x83: {  	[sflag:s0] =	ssyncadd.tile.s32 @!p0 $0x1;
	_ =	shalt  }
.Lfunc_end2:
_tile_overlayer_lowered:
.L_overlay_start_2:
0x84: {  	(tag) =	ssettag $0x2  }
0x85: {  	s0 =	rddreg [dreg:$0x0];
	s2 =	stileid.u32  }
0x86: {  	s1 =	rddreg [dreg:$0x1];
	p0 =	sne.s32 s2, $0x0  }
0x87: {  	s3 =	rddreg [dreg:$0x2];
	[bflag:$0x3] =	sbarrier.arrive $0xFFFF;
	s2 =	simm.s32 @!p0 $0x1C0A  }
0x88: {  	[timem:s3], [sflag:s2] =	dma.local @!p0 [hbm:s0], s1  }
0x89: {  	s0 =	simm.s32 @!p0 $0xA  }
0x8a: {  	_ =	swait.ge @!p0 [sflag:s0], s1  }
0x8b: {  	s1 =	ssub.s32 @!p0 $0x0, s1;
	[sflag:s0] =	ssyncset.done @!p0 $0x0  }
0x8c: {  	[sflag:s0] =	ssyncadd.s32 @!p0 s1  }
0x8d: {  	[bflag:$0x3] =	sbarrier.arrive $0xFFFF  }
0x8e: {  	_ =	shalt  }

// kernel: kernel.9.cloned.1.call-start
scs
__scs_entry_jumppad:
0x0: {  	(pc) =	sbr.rel $0x88, $3  }
0x1: {  	(tag) =	ssettag $0x0;
	lr =	simm.s32 $0x1  }
0x2: {  	[smem:$0x3F93] =	sst lr;
	_ =	strace $0xD0000000  }
0x3: {  	_ = 	snop  }
0x4: {  	_ = 	snop  }
0x5: {  	_ = 	snop  }
0x6: {  	_ = 	snop  }
0x7: {  	_ = 	snop  }
__scs_overlays_trampoline_lowered:
0x8: {  	[smem:$0x3FA2] =	sst s0  }
0x9: {  	[smem:$0x3FA3] =	sst s1  }
0xa: {  	[smem:$0x3FA4] =	sst s2  }
0xb: {  	[smem:$0x3FA5] =	sst s3  }
0xc: {  	[smem:$0x3FA6] =	sst s4  }
0xd: {  	[smem:$0x3FA7] =	sst s5  }
0xe: {  	[smem:$0x3FA8] =	sst s6  }
0xf: {  	[smem:$0x3FA9] =	sst s7  }
0x10: {  	[smem:$0x3FAA] =	sst s8  }
0x11: {  	[smem:$0x3FAB] =	sst s9;
	s0 =	simm.s32 @!p0 $0x0  }
0x12: {  	s1 =	sld [smem:$0x3F91];
	s0 =	simm.s32 @p0 $0x1  }
0x13: {  	[smem:$0x3FAC] =	sst s0;
	s0 =	simm.s32 @!p1 $0x0  }
0x14: {  	s2 =	sld [smem:$0x3F90];
	s0 =	simm.s32 @p1 $0x1  }
0x15: {  	[smem:$0x3FAD] =	sst s0;
	s0 =	simm.s32 @!p2 $0x0  }
0x16: {  	s3 =	sld [smem:$0x3FDB];
	s0 =	simm.s32 @p2 $0x1  }
0x17: {  	s4 =	simm.s32 $0x1BF5;
	[smem:$0x3FAF] =	sst s0  }
0x18: {  	s0 =	sld [smem:$0x3F92];
	_ =	swait.ge [sflag:s4], $0x0  }
0x19: {  	s7 =	sld [smem:$0x3F93]  }
0x1a: {  	s8 =	sadd.s32 $0xFFFFE003, lr  }
0x1b: {  	s9 =	sadd.s32 $0xFFFFFEF7, lr;
	s5 =	simm.s32 $0xFFFFFFFF;
	p2 =	slt.u32 s8, $0xFFFFF086  }
0x1c: {  	p1 =	slt.u32 s9, $0xF7A;
	s5 =	simm.s32 @!p2 $0x0  }
0x1d: {  	s5 =	simm.s32 @p1 $0x1;
	p0 =	seq.s32 s7, s2  }
0x1e: {  	s7 =	smul.u32 @!p0 $0xF7A, s2;
	p2 =	seq.s32 @!p0 s5, $0x0  }
0x1f: {  	s9 =	smul.u32 $0xF7A, s1;
	s8 =	simm.s32 @!p0 $0x1BF5;
	p2 =	por !p2, p0  }
0x20: {  	[sflag:s8] =	ssyncset.s32 @!p0 $0xFFFFF086;
	s6 =	sadd.s32 @!p0 s3, s7;
	s7 =	simm.s32 @!p0 $0x108  }
0x21: {  	s3 =	sadd.s32 s3, s9;
	s6 =	sadd.s32 @!p0 $0x88, s6;
	s7 =	simm.s32 @p2 $0x1082  }
0x22: {  	[simem:s7], [sflag:s8] =	dma.local @!p0 [hbm:s6], $0xF7A  }
0x23: {  	s9 =	sor.u32 $0xD0000000, s2;
	s6 =	simm.s32 $0x108;
	_ =	swait.ge @!p0 [sflag:s8], $0x0  }
0x24: {  	s3 =	sadd.s32 $0x88, s3;
	s6 =	simm.s32 @!p1 $0x1082;
	[sflag:s4] =	ssyncset.s32 $0xFFFFF086  }
0x25: {  	[simem:s6], [sflag:s4] =	dma.local [hbm:s3], $0xF7A  }
0x26: {  	[smem:$0x3F93] =	sst s1;
	(tag) =	ssettag s2;
	_ =	strace s9  }
0x27: {  	s1 =	sld [smem:$0x3FA3]  }
0x28: {  	s2 =	sld [smem:$0x3FA4]  }
0x29: {  	s4 =	sld [smem:$0x3FA6]  }
0x2a: {  	p0 =	seq.s32 s5, $0x0;
	s5 =	sld [smem:$0x3FA7]  }
0x2b: {  	s6 =	sld [smem:$0x3FA8]  }
0x2c: {  	s7 =	sld [smem:$0x3FA9]  }
0x2d: {  	s3 =	simm.s32 $0x108;
	s8 =	sld [smem:$0x3FAA]  }
0x2e: {  	s3 =	simm.s32 @!p0 $0x1082;
	s9 =	sld [smem:$0x3FAB]  }
0x2f: {  	lr =	sadd.s32 s0, s3;
	s0 =	sld [smem:$0x3FA2]  }
0x30: {  	s3 =	sld [smem:$0x3FA5]  }
0x31: {  	[smem:$0x3FAE] =	sst s10  }
0x32: {  	s10 =	sld [smem:$0x3FAC];
	_ =	sdelay $0x3  }
0x33: {  	p0 =	seq.s32 s10, $0x1;
	s10 =	sld [smem:$0x3FAE];
	_ =	sdelay $0x3  }
0x34: {  	[smem:$0x3FAE] =	sst s10  }
0x35: {  	s10 =	sld [smem:$0x3FAD];
	_ =	sdelay $0x3  }
0x36: {  	p1 =	seq.s32 s10, $0x1;
	s10 =	sld [smem:$0x3FAE];
	_ =	sdelay $0x3  }
0x37: {  	[smem:$0x3FAE] =	sst s10  }
0x38: {  	s10 =	sld [smem:$0x3FAF]  }
0x39: {  	_ = 	snop;
	(pc) =	sbr.ind lr, $3  }
0x3a: {  	_ = 	snop  }
0x3b: {  	_ = 	snop  }
0x3c: {  	p2 =	seq.s32 s10, $0x1;
	s10 =	sld [smem:$0x3FAE]  }
0x3d: {  	_ =	shalt  }
0x3e: {  	_ =	shalt  }
0x3f: {  	_ =	shalt  }
0x40: {  	_ =	shalt  }
0x41: {  	_ =	shalt  }
0x42: {  	_ =	shalt  }
0x43: {  	_ =	shalt  }
0x44: {  	_ =	shalt  }
0x45: {  	_ =	shalt  }
0x46: {  	_ =	shalt  }
0x47: {  	_ =	shalt  }
0x48: {  	_ =	shalt  }
0x49: {  	_ =	shalt  }
0x4a: {  	_ =	shalt  }
0x4b: {  	_ =	shalt  }
0x4c: {  	_ =	shalt  }
0x4d: {  	_ =	shalt  }
0x4e: {  	_ =	shalt  }
0x4f: {  	_ =	shalt  }
0x50: {  	_ =	shalt  }
0x51: {  	_ =	shalt  }
0x52: {  	_ =	shalt  }
0x53: {  	_ =	shalt  }
0x54: {  	_ =	shalt  }
0x55: {  	_ =	shalt  }
0x56: {  	_ =	shalt  }
0x57: {  	_ =	shalt  }
0x58: {  	_ =	shalt  }
0x59: {  	_ =	shalt  }
0x5a: {  	_ =	shalt  }
0x5b: {  	_ =	shalt  }
0x5c: {  	_ =	shalt  }
0x5d: {  	_ =	shalt  }
0x5e: {  	_ =	shalt  }
0x5f: {  	_ =	shalt  }
0x60: {  	_ =	shalt  }
0x61: {  	_ =	shalt  }
0x62: {  	_ =	shalt  }
0x63: {  	_ =	shalt  }
0x64: {  	_ =	shalt  }
0x65: {  	_ =	shalt  }
0x66: {  	_ =	shalt  }
0x67: {  	_ =	shalt  }
0x68: {  	_ =	shalt  }
0x69: {  	_ =	shalt  }
0x6a: {  	_ =	shalt  }
0x6b: {  	_ =	shalt  }
0x6c: {  	_ =	shalt  }
0x6d: {  	_ =	shalt  }
0x6e: {  	_ =	shalt  }
0x6f: {  	_ =	shalt  }
0x70: {  	_ =	shalt  }
0x71: {  	_ =	shalt  }
0x72: {  	_ =	shalt  }
0x73: {  	_ =	shalt  }
0x74: {  	_ =	shalt  }
0x75: {  	_ =	shalt  }
0x76: {  	_ =	shalt  }
0x77: {  	_ =	shalt  }
0x78: {  	_ =	shalt  }
0x79: {  	_ =	shalt  }
0x7a: {  	_ =	shalt  }
0x7b: {  	_ =	shalt  }
0x7c: {  	_ =	shalt  }
0x7d: {  	_ =	shalt  }
0x7e: {  	_ =	shalt  }
0x7f: {  	_ =	shalt  }
0x80: {  	_ =	shalt  }
0x81: {  	_ =	shalt  }
0x82: {  	_ =	shalt  }
0x83: {  	_ =	shalt  }
0x84: {  	_ =	shalt  }
0x85: {  	_ =	shalt  }
0x86: {  	_ =	shalt  }
0x87: {  	_ =	shalt  }
.Lfunc_end0:
.L_simem_size_0:
called_computation_lowered:
.L_overlay_start_0:
0x88: {  	s2 =	sld [smem:$0x3FD9]  }
0x89: {  	s3 =	sld [smem:$0x3FFE];
	_ =	sdelay $0x1  }
0x8a: {  	s1 =	srdreg.scid  }
0x8b: {  	s0 =	sand.u32 $0x1, s1  }
0x8c: {  	s14 =	sshll.u32 s0, $0xA;
	s2 =	sadd.s32 s3, s2  }
0x8d: {  	s2 =	sadd.s32 s2, s14  }
0x8e: {  	[smem:$0x3FBA] =	sst s2  }
0x8f: {  	_ = 	snop  }
0x90: {  	s2 =	sld [smem:$0x3FD0];
	_ =	sdelay $0x2  }
0x91: {  	s15 =	simm.s32 $0xA;
	s4 =	simm.s32 $0x10  }
0x92: {  	[smem:s4], [sflag:s15] =	dma.local [hbm:s2], $0x1  }
0x93: {  	_ =	swait.eq [sflag:s15], $0x1  }
0x94: {  	s16 =	sld [smem:$0x10];
	[sflag:s15] =	ssyncset.done $0x0  }
0x95: {  	s17 =	sld [smem:$0x11];
	[sflag:s15] =	ssyncadd.s32 $0xFFFFFFFF  }
0x96: {  	s18 =	sld [smem:$0x12];
	(tm) =	ssettm $0x1  }
0x97: {  	s5 =	sld [smem:$0x3FFB];
	_ =	sdelay $0x3  }
0x98: {  	_ =	strace s5  }
0x99: {  	s5 =	sld [smem:$0x3FFC];
	_ =	sdelay $0x3  }
0x9a: {  	_ =	strace s5  }
0x9b: {  	s5 =	sld [smem:$0x3FFD];
	_ =	sdelay $0x3  }
0x9c: {  	_ =	strace s5  }
0x9d: {  	_ =	strace $0x8FFFFFFF  }
0x9e: {  	s19 =	sld [smem:$0x3FDB];
	_ =	sdelay $0x1  }
0x9f: {  	s6 =	simm.s32 $_scs_section_size  }
0xa0: {  	s7 =	simm.s32 $_size__tile_overlayer_lowered;
	s8 =	simm.s32 $_tile_overlayer_lowered  }
0xa1: {  	s22 =	simm.s32 $0x1BFF;
	s21 =	sshll.u32 s8, $0x1;
	s5 =	sadd.s32 s6, s19  }
0xa2: {  	s9 =	simm.s32 $0x0;
	s20 =	sshll.u32 s7, $0x1;
	s7 =	sadd.s32 s21, s5  }
0xa3: {  	[timem:s9], [sflag:s22] =	dma.local [hbm:s7], s20  }
0xa4: {  	_ =	swait.ge [sflag:s22], s20  }
0xa5: {  	s6 =	ssub.s32 $0x0, s20;
	[sflag:s22] =	ssyncset.done $0x0  }
0xa6: {  	[sflag:s22] =	ssyncadd.s32 s6;
	_ =	sdelay $0x1  }
0xa7: {  	s23 =	simm.s32 $0x1B8B  }
0xa8: {  	_ =	swait.ge [sflag:s23], $0x1  }
0xa9: {  	[sflag:s23] =	ssyncset.done $0x0  }
0xaa: {  	s25 =	simm.s32 $0x1B8E;
	s24 =	sld [smem:$0x3FFE];
	[sflag:s23] =	ssyncadd.s32 $0xFFFFFFFF  }
0xab: {  	s26 =	simm.s32 $execute0_lowered;
	[smem:$0x3FD2] =	sst s25  }
0xac: {  	s7 =	sshll.u32 s26, $0x1;
	_ =	strace $0x80000046;
	[dreg:$0x1] =	wrdreg $0xFFFFFFFF  }
0xad: {  	s28 =	simm.s32 $_size_execute0_lowered;
	s5 =	sadd.s32 s5, s7;
	[dreg:$0x0] =	wrdreg $0x0  }
0xae: {  	s7 =	sshll.u32 s28, $0x1;
	[dreg:$0x2] =	wrdreg s5  }
0xaf: {  	[dreg:$0x3] =	wrdreg s7  }
0xb0: {  	[dreg:$0x4] =	wrdreg $0xC0  }
0xb1: {  	_ =	task [dreg:s9], $0x5FFFF  }
0xb2: {  	[dreg:$0x1] =	wrdreg $0xFFFFFFFF  }
0xb3: {  	[dreg:$0x0] =	wrdreg $0x60  }
0xb4: {  	[dreg:$0x2] =	wrdreg s24  }
0xb5: {  	[dreg:$0x3] =	wrdreg s16  }
0xb6: {  	[dreg:$0x4] =	wrdreg s17  }
0xb7: {  	[dreg:$0x5] =	wrdreg s18  }
0xb8: {  	[dreg:$0x6] =	wrdreg $0x29000  }
0xb9: {  	[dreg:$0x7] =	wrdreg $0x9  }
0xba: {  	_ =	task.clear_ibuf [dreg:s9], $0x8FFFF;
	_ =	strace $0x90000046  }
0xbb: {  	s29 =	simm.s32 $0x9;
	_ =	strace $0x80000048  }
0xbc: {  	_ =	swait.ge [sflag:s29], $0x1  }
0xbd: {  	[sflag:s29] =	ssyncadd.s32 $0xFFFFFFFF  }
0xbe: {  	_ =	strace $0x90000048  }
0xbf: {  	_ =	sfence  }
0xc0: {  	s30 =	sld [smem:$0x0];
	_ =	sdelay $0x2  }
0xc1: {  	s31 =	sshll.u32 s1, $0xD;
	s1 =	sshrl.u32 s1, $0x2  }
0xc2: {  	s3 =	sand.u32 $0x4000, s31;
	s1 =	sadd.s32 s1, s30  }
0xc3: {  	s0 =	sor.u32 s3, s0;
	s1 =	sshll.u32 s1, $0x11  }
0xc4: {  	s0 =	sor.u32 s1, s0  }
0xc5: {  	s0 =	sadd.s32 $0x8F2B, s0  }
0xc6: {  	[sflag:s0] =	ssyncadd.remote.s32 $0x1  }
0xc7: {  	_ =	sfence.sel $0xFFFF  }
0xc8: {  	[dreg:$0x0] =	wrdreg $0xFFFFFFFF;
	(pc) =	sbr.abs _section_cstart, $3  }
0xc9: {  	[dreg:$0x1] =	wrdreg $0xFFFFFFFF  }
0xca: {  	_ =	task.clear_ibuf [dreg:s9], $0x2FFFF;
	_ =	strace $0x9FFFFFFF  }
0xcb: {  	(tm) =	ssettm $0x7FFFFFFF  }
tec
execute0_lowered:
.L_overlay_start_1:
0x0: {  	(tag) =	ssettag $0x1  }
0x1: {  	s0 =	rddreg [dreg:$0x0]  }
0x2: {  	s2 =	rddreg [dreg:$0x2]  }
0x3: {  	s1 =	rddreg [dreg:$0x3]  }
0x4: {  	s4 =	rddreg [dreg:$0x4]  }
0x5: {  	s5 =	simm.s32 $0x0;
	s6 =	srdreg.scid;
	s3 =	stileid.u32  }
0x6: {  	s21 =	simm.s32 $0x5;
	s28 =	simm.s32 $0x3;
	s29 =	simm.s32 $0x2  }
0x7: {  	s30 =	simm.s32 $0x4;
	s31 =	simm.s32 $0x0;
	s11 =	smul.u32 $0x4E000, s3  }
0x8: {  	[smem:$0x7FF] =	sst s5;
	s6 =	sand.u32 $0x1, s6;
	s13 =	smul.u32 $0x2700, s3  }
0x9: {  	s7 =	sadd.s32 $0xDE00, s0;
	s24 =	sshll.u32 s3, $0x6;
	s16 =	smul.u32 $0x2710, s3  }
0xa: {  	p1 =	sne.s32 s3, $0xF;
	p2 =	seq.s32 s3, $0xF;
	_ =	strace $0x80000047  }
0xb: {  	s8 =	sshll.u32 s6, $0x4;
	s9 =	ssub.s32 $0x2, s6;
	s15 =	smul.u32 $0x27100, s6  }
0xc: {  	p0 =	seq.s32 s6, $0x1;
	s10 =	sor.u32 s3, s8;
	s8 =	sadd.s32 $0x17C00, s0  }
0xd: {  	s22 =	sshrl.u32 s9, $0x1;
	s23 =	sshrl.u32 s11, $0x2;
	s11 =	sadd.s32 $0x2700, s2  }
0xe: {  	s12 =	sadd.s32 s1, s13;
	s14 =	smul.u32 $0x2710, s10;
	s0 =	ssub.s32 s9, s22  }
0xf: {  	s20 =	sadd.s32 s23, s4;
	s9 =	sor.u32 $0x1C05, s24;
	s10 =	sadd.s32 $0x138000, s4  }
0x10: {  	s13 =	sadd.s32 s8, s13;
	s19 =	sadd.s32 s16, s15;
	s23 =	simm.s32 $0x100  }
.Ltmp0:
0x11: {  	s24 =	simm.s32 $0x80;
	s26 =	sadd.s32 $0xF0, s19;
	(pc) =	sbr.rel .LBB2_1-.Ltmp0, $4  }
0x12: {  	s19 =	sadd.s32 $0xA0, s19;
	s20 =	sshrl.u32 s20, $0x3;
	s22 =	sshrl.u32 @!p1 s10, $0x3  }
0x13: {  	s25 =	sshrl.u32 s14, $0x3;
	s14 =	smax.u32 s0, $0x1;
	s0 =	sshrl.u32 s26, $0x3  }
0x14: {  	s26 =	simm.s32 $0x50;
	s15 =	sadd.s32 s7, s25;
	s18 =	sadd.s32 s0, s7  }
0x15: {  	s25 =	simm.s32 $0x1;
	s16 =	sadd.s32 $0xA, s15;
	s17 =	sadd.s32 $0x4D8, s15  }
.LBB2_6:
0x16: {  	s0 =	sadd.s32 $0x27000, s0;
	s1 =	sshrl.u32 s10, $0x3  }
0x17: {  	[hbm:s0], [sflag:s9] =	dma.local [spmem:s1], $0x100  }
0x18: {  	_ =	swait.ge [sflag:s21], $0x100  }
0x19: {  	[sflag:s21] =	ssyncset.done $0x0  }
0x1a: {  	[sflag:s21] =	ssyncadd.s32 $0xFFFFFF00  }
.LBB2_7:
0x1b: {  	s31 =	sadd.s32 $0x1, s31  }
0x1c: {  	p3 =	sne.s32 s31, s14  }
.Ltmp1:
0x1d: {  	_ = 	snop;
	(pc) =	sbr.rel @!p3 .LBB2_8-.Ltmp1, $1  }
0x1e: {  	_ =	sdelay $0x3  }
.LBB2_1:
0x1f: {  	[spmem:s20], [sflag:s9] =	dma.local [hbm:s2], $0x2700  }
0x20: {  	_ =	swait.ge [sflag:s21], $0x2700  }
0x21: {  	[sflag:s21] =	ssyncset.done $0x0  }
0x22: {  	s0 =	simm.s32 @!p1 $0x5;
	[sflag:s21] =	ssyncadd.s32 $0xFFFFD900  }
0x23: {  	[spmem:s22], [sflag:s9] =	dma.local @!p1 [hbm:s11], $0x100  }
0x24: {  	_ =	swait.ge @!p1 [sflag:s0], $0x100  }
0x25: {  	[sflag:s0] =	ssyncset.done @!p1 $0x0  }
0x26: {  	[sflag:s0] =	ssyncadd.s32 @!p1 $0xFFFFFF00  }
0x27: {  	s0 =	rddreg [dreg:$0x1]  }
0x28: {  	[tilespmem:s23], [sflag:$0x5] =	stream.linear.gather [hbm4b:s0+s5], $0x2800, $0x38;
	[tilespmem:$0x16180] =	vst v63  }
0x29: {  	_ =	swait.ge [sflag:s21], $0x2800  }
0x2a: {  	[sflag:s21] =	ssyncset.done $0x0  }
0x2b: {  	[sflag:s21] =	ssyncadd.s32 $0xFFFFD800  }
0x2c: {  	[bflag:$0x0] =	sbarrier.arrive $0xFFFF  }
0x2d: {  	[tilespmem:s5], [sflag:$0x1] =	stream.linear.gather [hbm4b:s15+s5], $0x50, $0x38;
	[tilespmem:$0x16180] =	vst v63  }
0x2e: {  	_ = 	snop  }
0x2f: {  	[tilespmem:s24], [sflag:$0x2] =	stream.linear.gather [hbm4b:s16+s5], $0x50, $0x38;
	[tilespmem:$0x16180] =	vst v63  }
0x30: {  	_ =	swait.ge [sflag:s25], $0x50  }
0x31: {  	[sflag:s25] =	ssyncset.done $0x0  }
0x32: {  	[sflag:s25] =	ssyncadd.s32 $0xFFFFFFB0  }
0x33: {  	[spmem:s4] =	stream.indirect.scatter.add.f32 [tilespmem:s23], [sflag:$0x3], $0x80, s5, s26, $0xb8;
	[tilespmem:$0x16180] =	vst v63  }
0x34: {  	_ =	swait.ge [sflag:s28], $0x2800  }
0x35: {  	s3 =	sshrl.u32 s19, $0x3;
	[sflag:s28] =	ssyncset.done $0x0  }
0x36: {  	s0 =	sadd.s32 s7, s3;
	[sflag:s28] =	ssyncadd.s32 $0xFFFFD800  }
0x37: {  	[tilespmem:s5], [sflag:$0x1] =	stream.linear.gather [hbm4b:s0+s5], $0x50, $0x38;
	[tilespmem:$0x16180] =	vst v63  }
0x38: {  	_ =	swait.ge [sflag:s29], $0x50  }
0x39: {  	[sflag:s29] =	ssyncset.done $0x0  }
0x3a: {  	[sflag:s29] =	ssyncadd.s32 $0xFFFFFFB0  }
0x3b: {  	[spmem:s4] =	stream.indirect.scatter.add.f32 [tilespmem:s23], [sflag:$0x4], $0x80, s24, s26, $0xb8;
	[tilespmem:$0x16180] =	vst v63  }
0x3c: {  	_ =	swait.ge [sflag:s30], $0x2800  }
0x3d: {  	[sflag:s30] =	ssyncset.done $0x0  }
0x3e: {  	s6 =	sadd.s32 $0x0, s18;
	[sflag:s30] =	ssyncadd.s32 $0xFFFFD800  }
0x3f: {  	[tilespmem:s24], [sflag:$0x2] =	stream.linear.gather [hbm4b:s6+s5], $0x50, $0x38;
	[tilespmem:$0x16180] =	vst v63  }
0x40: {  	_ =	swait.ge [sflag:s25], $0x50  }
0x41: {  	[sflag:s25] =	ssyncset.done $0x0  }
0x42: {  	s0 =	simm.s32 $0x14;
	s6 =	sadd.s32 $0xA0, s19;
	[sflag:s25] =	ssyncadd.s32 $0xFFFFFFB0  }
.LBB2_2:
0x43: {  	[spmem:s4] =	stream.indirect.scatter.add.f32 [tilespmem:s23], [sflag:$0x3], $0x80, s5, s26, $0xb8;
	[tilespmem:$0x16180] =	vst v63  }
0x44: {  	s3 =	smov.u32 s0  }
0x45: {  	p3 =	sne.s32 s0, $0x4B0;
	s0 =	sadd.s32 $0x14, s0;
	_ =	swait.ge [sflag:s28], $0x2800  }
0x46: {  	s1 =	sshrl.u32 s6, $0x3;
	[sflag:s28] =	ssyncset.done $0x0  }
0x47: {  	s1 =	sadd.s32 s7, s1;
	[sflag:s28] =	ssyncadd.s32 $0xFFFFD800  }
0x48: {  	[tilespmem:s5], [sflag:$0x1] =	stream.linear.gather [hbm4b:s1+s5], $0x50, $0x38;
	[tilespmem:$0x16180] =	vst v63  }
0x49: {  	_ =	swait.ge [sflag:s29], $0x50  }
0x4a: {  	[sflag:s29] =	ssyncset.done $0x0  }
0x4b: {  	[sflag:s29] =	ssyncadd.s32 $0xFFFFFFB0  }
0x4c: {  	[spmem:s4] =	stream.indirect.scatter.add.f32 [tilespmem:s23], [sflag:$0x4], $0x80, s24, s26, $0xb8;
	[tilespmem:$0x16180] =	vst v63  }
0x4d: {  	_ =	swait.ge [sflag:s30], $0x2800  }
0x4e: {  	[sflag:s30] =	ssyncset.done $0x0  }
.Ltmp2:
0x4f: {  	s1 =	sadd.s32 s3, s18;
	[sflag:s30] =	ssyncadd.s32 $0xFFFFD800;
	(pc) =	sbr.rel @p3 .LBB2_2-.Ltmp2, $4  }
0x50: {  	[tilespmem:s24], [sflag:$0x2] =	stream.linear.gather [hbm4b:s1+s5], $0x50, $0x38;
	[tilespmem:$0x16180] =	vst v63  }
0x51: {  	_ =	swait.ge [sflag:s25], $0x50  }
0x52: {  	[sflag:s25] =	ssyncset.done $0x0  }
0x53: {  	s6 =	sadd.s32 $0xA0, s6;
	[sflag:s25] =	ssyncadd.s32 $0xFFFFFFB0  }
0x54: {  	[spmem:s4] =	stream.indirect.scatter.add.f32 [tilespmem:s23], [sflag:$0x3], $0x80, s5, s26, $0xb8;
	[tilespmem:$0x16180] =	vst v63  }
0x55: {  	_ =	swait.ge [sflag:s28], $0x2800  }
0x56: {  	[sflag:s28] =	ssyncset.done $0x0  }
0x57: {  	[sflag:s28] =	ssyncadd.s32 $0xFFFFD800  }
0x58: {  	[tilespmem:s5], [sflag:$0x1] =	stream.linear.gather [hbm4b:s17+s5], $0x50, $0x38;
	[tilespmem:$0x16180] =	vst v63  }
0x59: {  	_ =	swait.ge [sflag:s29], $0x50  }
0x5a: {  	[sflag:s29] =	ssyncset.done $0x0  }
0x5b: {  	[sflag:s29] =	ssyncadd.s32 $0xFFFFFFB0  }
0x5c: {  	[spmem:s4] =	stream.indirect.scatter.add.f32 [tilespmem:s23], [sflag:$0x4], $0x80, s24, s26, $0xb8;
	[tilespmem:$0x16180] =	vst v63  }
0x5d: {  	_ =	swait.ge [sflag:s30], $0x2800  }
0x5e: {  	[sflag:s30] =	ssyncset.done $0x0  }
0x5f: {  	[sflag:s30] =	ssyncadd.s32 $0xFFFFD800  }
0x60: {  	_ =	swait.ge [sflag:s25], $0x50  }
0x61: {  	[sflag:s25] =	ssyncset.done $0x0  }
0x62: {  	[sflag:s25] =	ssyncadd.s32 $0xFFFFFFB0  }
0x63: {  	[spmem:s4] =	stream.indirect.scatter.add.f32 [tilespmem:s23], [sflag:$0x3], $0x80, s5, s26, $0xb8;
	[tilespmem:$0x16180] =	vst v63  }
.Ltmp3:
0x64: {  	_ =	swait.ge [sflag:s28], $0x2800;
	(pc) =	sbr.rel @!p0 .LBB2_4-.Ltmp3, $3  }
0x65: {  	[sflag:s28] =	ssyncset.done $0x0  }
0x66: {  	[sflag:s28] =	ssyncadd.s32 $0xFFFFD800  }
0x67: {  	[bflag:$0x0] =	sbarrier.arrive $0xFFFF;
	_ =	sdelay $0x1  }
0x68: {  	[hbm:s13], [sflag:s9] =	dma.local [spmem:s20], $0x2700  }
.Ltmp4:
0x69: {  	_ = 	snop;
	(pc) =	sbr.rel @p1 .LBB2_7-.Ltmp4, $4  }
.Ltmp5:
0x6a: {  	_ = 	snop;
	(pc) =	sbr.rel @!p1 .LBB2_6-.Ltmp5, $4  }
0x6b: {  	_ =	swait.ge [sflag:s21], $0x2700  }
0x6c: {  	[sflag:s21] =	ssyncset.done $0x0  }
0x6d: {  	s0 =	smov.u32 s8;
	[sflag:s21] =	ssyncadd.s32 $0xFFFFD900  }
0x6e: {  	_ = 	snop  }
.LBB2_4:
0x6f: {  	[hbm:s12], [sflag:s9] =	dma.local [spmem:s20], $0x2700  }
.Ltmp6:
0x70: {  	_ = 	snop;
	(pc) =	sbr.rel @p2 .LBB2_6-.Ltmp6, $4  }
.Ltmp7:
0x71: {  	_ =	swait.ge [sflag:s21], $0x2700;
	(pc) =	sbr.rel @!p2 .LBB2_7-.Ltmp7, $4  }
0x72: {  	[sflag:s21] =	ssyncset.done $0x0  }
0x73: {  	[sflag:s21] =	ssyncadd.s32 $0xFFFFD900  }
0x74: {  	s0 =	rddreg [dreg:$0x3]  }
0x75: {  	_ = 	snop  }
.LBB2_8:
0x76: {  	_ =	sfence.sel $0x180000  }
0x77: {  	[bflag:$0x0] =	sbarrier.arrive $0xFFFF  }
0x78: {  	_ =	strace $0x90000047  }
0x79: {  	s0 =	stileid.u32;
	[bflag:$0x2] =	sbarrier.arrive $0xFFFF  }
0x7a: {  	p0 =	sne.s32 s0, $0x0;
	s0 =	rddreg [dreg:$0x5]  }
0x7b: {  	s0 =	sadd.s32 @!p0 $0x100000, s0  }
0x7c: {  	[sflag:s0] =	ssyncadd.tile.s32 @!p0 $0x1;
	_ =	shalt  }
.Lfunc_end2:
_tile_overlayer_lowered:
.L_overlay_start_2:
0x7d: {  	(tag) =	ssettag $0x2  }
0x7e: {  	s0 =	rddreg [dreg:$0x0];
	s2 =	stileid.u32  }
0x7f: {  	s1 =	rddreg [dreg:$0x1];
	p0 =	sne.s32 s2, $0x0  }
0x80: {  	s3 =	rddreg [dreg:$0x2];
	[bflag:$0x3] =	sbarrier.arrive $0xFFFF;
	s2 =	simm.s32 @!p0 $0x1C05  }
0x81: {  	[timem:s3], [sflag:s2] =	dma.local @!p0 [hbm:s0], s1  }
0x82: {  	s0 =	simm.s32 @!p0 $0x5  }
0x83: {  	_ =	swait.ge @!p0 [sflag:s0], s1  }
0x84: {  	s1 =	ssub.s32 @!p0 $0x0, s1;
	[sflag:s0] =	ssyncset.done @!p0 $0x0  }
0x85: {  	[sflag:s0] =	ssyncadd.s32 @!p0 s1  }
0x86: {  	[bflag:$0x3] =	sbarrier.arrive $0xFFFF  }
0x87: {  	_ =	shalt  }

</sc_bundles>
